<compile_context>
chip_gen: v7x
topology: tpu7x:2x2x1
jax: 0.10.2.dev20260603
libtpu: 0.0.44.dev20260713+nightly
codegen_flags: <defaults>
</compile_context>

<pallas_src>
import functools

import jax
import jax.numpy as jnp
from jax import lax
from jax.experimental import pallas as pl
from jax.experimental.pallas import tpu as pltpu
from jax.experimental.pallas import tpu_sc as plsc

_D = 128
_T = 320000
_CH = 80
_LANES = 16
_NBUF = 5
_LOOK = 3


def _encode(X, idx0, idx1):
    info = plsc.get_sparse_core_info()
    nw = info.num_cores * info.num_subcores
    per_w = _T // nw
    n_chunks = per_w // _CH

    mesh = plsc.VectorSubcoreMesh(core_axis_name="c", subcore_axis_name="s")

    scratch = [
        pltpu.VMEM((per_w,), jnp.int32),
        pltpu.VMEM((per_w,), jnp.int32),
    ]
    scratch += [pltpu.VMEM((_CH, _D), jnp.float32) for _ in range(2 * _NBUF)]
    scratch += [pltpu.SemaphoreType.DMA for _ in range(2 * _NBUF)]

    @functools.partial(
        pl.kernel,
        mesh=mesh,
        out_type=jax.ShapeDtypeStruct((_T, _D), jnp.float32),
        scratch_types=scratch,
    )
    def k(x_hbm, i0_hbm, i1_hbm, out_hbm, i0_v, i1_v, *bufs):
        a_s = bufs[0:_NBUF]
        b_s = bufs[_NBUF:2 * _NBUF]
        sg_s = bufs[2 * _NBUF:3 * _NBUF]
        st_s = bufs[3 * _NBUF:4 * _NBUF]

        wid = lax.axis_index("s") * info.num_cores + lax.axis_index("c")
        wbase = wid * per_w

        def issue_gather(g, s):
            sl = pl.ds(g * _CH, _CH)
            pltpu.async_copy(x_hbm.at[i0_v.at[sl]], a_s[s], sg_s[s])
            pltpu.async_copy(x_hbm.at[i1_v.at[sl]], b_s[s], sg_s[s])

        def wait_gather(s):
            sl = pl.ds(0, _CH)
            pltpu.make_async_copy(x_hbm.at[i0_v.at[sl]], a_s[s], sg_s[s]).wait()
            pltpu.make_async_copy(x_hbm.at[i1_v.at[sl]], b_s[s], sg_s[s]).wait()

        def drain_store(s):
            pltpu.make_async_copy(
                a_s[s], out_hbm.at[pl.ds(wbase, _CH)], st_s[s]).wait()

        def multiply(s):
            def row_body(r, c2):
                for j in range(_D // _LANES):
                    sl = pl.ds(j * _LANES, _LANES)
                    a_s[s][r, sl] = a_s[s][r, sl] * b_s[s][r, sl]
                return c2
            lax.fori_loop(0, _CH, row_body, 0)

        def issue_store(g, s):
            pltpu.async_copy(
                a_s[s], out_hbm.at[pl.ds(wbase + g * _CH, _CH)], st_s[s])

        pltpu.sync_copy(i0_hbm.at[pl.ds(wbase, per_w)], i0_v)
        pltpu.sync_copy(i1_hbm.at[pl.ds(wbase, per_w)], i1_v)

        for g0 in range(_LOOK):
            issue_gather(g0, g0)

        def block_body(p, carry):
            for b in range(_NBUF):
                g = _NBUF * p + b
                s_pre = (b + _LOOK) % _NBUF

                def prefetch():
                    pl.when(g >= _NBUF - _LOOK)(lambda: drain_store(s_pre))
                    issue_gather(g + _LOOK, s_pre)

                pl.when(g + _LOOK < n_chunks)(prefetch)
                wait_gather(b)
                multiply(b)
                issue_store(g, b)
            return carry

        lax.fori_loop(0, n_chunks // _NBUF, block_body, 0)

        for s in range(_NBUF):
            drain_store(s)

    return k(X, idx0, idx1)


def kernel(X, adj_t, tuples_coo):
    return _encode(X, tuples_coo[0], tuples_coo[1])

# --- scband reference (transcript-rebuilt; emitter-appended) ---
"""Pipeline reference for scband-product-tuple-encoder-40862318854393 (READ-ONLY COPY).

The authoritative reference and input builder live on the scoring server;
editing this copy changes nothing except your own understanding.
"""

import jax, jax.numpy as jnp
import numpy as np


def setup_inputs(seed: int = 0) -> dict:
    key = jax.random.key(seed)
    k1, k2 = jax.random.split(key)
    X = jax.random.normal(k1, (10000, 128), dtype=jnp.float32)
    adj_t = jnp.zeros((1,), dtype=jnp.int32)  # unused by the module, required positionally
    tuples_coo = jax.random.randint(k2, (2, 320000), 0, 10000, dtype=jnp.int32)
    return {"X": X, "adj_t": adj_t, "tuples_coo": tuples_coo}


def reference(X, adj_t, tuples_coo):
    # X[tuples_coo] -> gather rows of X for each tuple slot: [arity, T, d]
    gathered = jnp.take(X, tuples_coo, axis=0)
    # element-wise product across the tuple (arity) dimension -> [T, d]
    return jnp.prod(gathered, axis=0)

if __name__ == "__main__":
    import jax
    _d = setup_inputs()
    print(jax.jit(kernel)(*tuple(_d.values())))

</pallas_src>

<mosaic_0001>
#map = affine_map<(d0, d1) -> (0, 0)>
#map1 = affine_map<(d0, d1) -> (0)>
module attributes {stable_mosaic.version = 14 : i64} {
  func.func @k(%arg0: i32, %arg1: i32, %arg2: memref<10000x128xf32, #tpu.memory_space<hbm>>, %arg3: memref<320000xi32, #tpu.memory_space<hbm>>, %arg4: memref<320000xi32, #tpu.memory_space<hbm>>, %arg5: memref<320000x128xf32, #tpu.memory_space<hbm>>, %arg6: memref<10000xi32, #tpu.memory_space<vmem>>, %arg7: memref<10000xi32, #tpu.memory_space<vmem>>, %arg8: memref<80x128xf32, #tpu.memory_space<vmem>>, %arg9: memref<80x128xf32, #tpu.memory_space<vmem>>, %arg10: memref<80x128xf32, #tpu.memory_space<vmem>>, %arg11: memref<80x128xf32, #tpu.memory_space<vmem>>, %arg12: memref<80x128xf32, #tpu.memory_space<vmem>>, %arg13: memref<80x128xf32, #tpu.memory_space<vmem>>, %arg14: memref<80x128xf32, #tpu.memory_space<vmem>>, %arg15: memref<80x128xf32, #tpu.memory_space<vmem>>, %arg16: memref<80x128xf32, #tpu.memory_space<vmem>>, %arg17: memref<80x128xf32, #tpu.memory_space<vmem>>, %arg18: memref<!tpu.dma_semaphore, #tpu.memory_space<semaphore_mem>>, %arg19: memref<!tpu.dma_semaphore, #tpu.memory_space<semaphore_mem>>, %arg20: memref<!tpu.dma_semaphore, #tpu.memory_space<semaphore_mem>>, %arg21: memref<!tpu.dma_semaphore, #tpu.memory_space<semaphore_mem>>, %arg22: memref<!tpu.dma_semaphore, #tpu.memory_space<semaphore_mem>>, %arg23: memref<!tpu.dma_semaphore, #tpu.memory_space<semaphore_mem>>, %arg24: memref<!tpu.dma_semaphore, #tpu.memory_space<semaphore_mem>>, %arg25: memref<!tpu.dma_semaphore, #tpu.memory_space<semaphore_mem>>, %arg26: memref<!tpu.dma_semaphore, #tpu.memory_space<semaphore_mem>>, %arg27: memref<!tpu.dma_semaphore, #tpu.memory_space<semaphore_mem>>) attributes {dimension_semantics = [#tpu.dimension_semantics<core_parallel>, #tpu.dimension_semantics<subcore_parallel>], iteration_bounds = array<i64: 2, 16>, scalar_prefetch = 0 : i64, scratch_operands = 22 : i64, tpu.core_type = #tpu.core_type<sc_vector_subcore>, window_params = [{transform_indices = #map}, {transform_indices = #map1}, {transform_indices = #map1}, {transform_indices = #map}]} {
    %mul3A = arith.constant 2 : i32
    %mul3A_0 = arith.muli %arg1, %mul3A : i32
    %add3A = arith.addi %mul3A_0, %arg0 : i32
    %mul3A_1 = arith.constant 10000 : i32
    %mul3A_2 = arith.muli %add3A, %mul3A_1 : i32
    "tpu.region"() ({
      %run_scoped3A = tpu.sem_alloc : memref<!tpu.dma_semaphore, #tpu.memory_space<semaphore_mem>>
      %dma_start3A_56 = tpu.memref_slice %arg3[%mul3A_2] : memref<320000xi32, #tpu.memory_space<hbm>> -> memref<10000xi32, #tpu.memory_space<hbm>>
      %dma_start3A_57 = tpu.memref_slice %arg3[%mul3A_2] : memref<320000xi32, #tpu.memory_space<hbm>> -> memref<10000xi32, #tpu.memory_space<hbm>>
      tpu.enqueue_dma source(%dma_start3A_57 : memref<10000xi32, #tpu.memory_space<hbm>>) target(%arg6 : memref<10000xi32, #tpu.memory_space<vmem>>) target_semaphore(%run_scoped3A : memref<!tpu.dma_semaphore, #tpu.memory_space<semaphore_mem>>)
      %dma_wait3A_58 = tpu.memref_slice %arg3[%mul3A_2] : memref<320000xi32, #tpu.memory_space<hbm>> -> memref<10000xi32, #tpu.memory_space<hbm>>
      %dma_wait3A_59 = tpu.memref_slice %arg3[%mul3A_2] : memref<320000xi32, #tpu.memory_space<hbm>> -> memref<10000xi32, #tpu.memory_space<hbm>>
      tpu.wait_dma2 semaphore(%run_scoped3A : memref<!tpu.dma_semaphore, #tpu.memory_space<semaphore_mem>>) src(%dma_wait3A_59 : memref<10000xi32, #tpu.memory_space<hbm>>) dst(%arg6 : memref<10000xi32, #tpu.memory_space<vmem>>)
      tpu.yield
    }) : () -> ()
    "tpu.region"() ({
      %run_scoped3A = tpu.sem_alloc : memref<!tpu.dma_semaphore, #tpu.memory_space<semaphore_mem>>
      %dma_start3A_56 = tpu.memref_slice %arg4[%mul3A_2] : memref<320000xi32, #tpu.memory_space<hbm>> -> memref<10000xi32, #tpu.memory_space<hbm>>
      %dma_start3A_57 = tpu.memref_slice %arg4[%mul3A_2] : memref<320000xi32, #tpu.memory_space<hbm>> -> memref<10000xi32, #tpu.memory_space<hbm>>
      tpu.enqueue_dma source(%dma_start3A_57 : memref<10000xi32, #tpu.memory_space<hbm>>) target(%arg7 : memref<10000xi32, #tpu.memory_space<vmem>>) target_semaphore(%run_scoped3A : memref<!tpu.dma_semaphore, #tpu.memory_space<semaphore_mem>>)
      %dma_wait3A_58 = tpu.memref_slice %arg4[%mul3A_2] : memref<320000xi32, #tpu.memory_space<hbm>> -> memref<10000xi32, #tpu.memory_space<hbm>>
      %dma_wait3A_59 = tpu.memref_slice %arg4[%mul3A_2] : memref<320000xi32, #tpu.memory_space<hbm>> -> memref<10000xi32, #tpu.memory_space<hbm>>
      tpu.wait_dma2 semaphore(%run_scoped3A : memref<!tpu.dma_semaphore, #tpu.memory_space<semaphore_mem>>) src(%dma_wait3A_59 : memref<10000xi32, #tpu.memory_space<hbm>>) dst(%arg7 : memref<10000xi32, #tpu.memory_space<vmem>>)
      tpu.yield
    }) : () -> ()
    %dma_start3A = arith.constant 0 : i32
    %dma_start3A_3 = tpu.memref_slice %arg6[%dma_start3A] : memref<10000xi32, #tpu.memory_space<vmem>> -> memref<80xi32, #tpu.memory_space<vmem>>
    %dma_start3A_4 = arith.constant 0 : i32
    %dma_start3A_5 = arith.constant 0 : i32
    %dma_start3A_6 = tpu.memref_slice %arg2[%dma_start3A_4, %dma_start3A_5] : memref<10000x128xf32, #tpu.memory_space<hbm>> -> memref<10000x128xf32, #tpu.memory_space<hbm>>
    tpu.enqueue_indirect_dma source(%dma_start3A_6 : memref<10000x128xf32, #tpu.memory_space<hbm>>) target(%arg8 : memref<80x128xf32, #tpu.memory_space<vmem>>) offsets(%dma_start3A_3 : memref<80xi32, #tpu.memory_space<vmem>>) semaphore(%arg18 : memref<!tpu.dma_semaphore, #tpu.memory_space<semaphore_mem>>)
    %dma_start3A_7 = arith.constant 0 : i32
    %dma_start3A_8 = tpu.memref_slice %arg7[%dma_start3A_7] : memref<10000xi32, #tpu.memory_space<vmem>> -> memref<80xi32, #tpu.memory_space<vmem>>
    %dma_start3A_9 = arith.constant 0 : i32
    %dma_start3A_10 = arith.constant 0 : i32
    %dma_start3A_11 = tpu.memref_slice %arg2[%dma_start3A_9, %dma_start3A_10] : memref<10000x128xf32, #tpu.memory_space<hbm>> -> memref<10000x128xf32, #tpu.memory_space<hbm>>
    tpu.enqueue_indirect_dma source(%dma_start3A_11 : memref<10000x128xf32, #tpu.memory_space<hbm>>) target(%arg13 : memref<80x128xf32, #tpu.memory_space<vmem>>) offsets(%dma_start3A_8 : memref<80xi32, #tpu.memory_space<vmem>>) semaphore(%arg18 : memref<!tpu.dma_semaphore, #tpu.memory_space<semaphore_mem>>)
    %dma_start3A_12 = arith.constant 80 : i32
    %dma_start3A_13 = tpu.memref_slice %arg6[%dma_start3A_12] : memref<10000xi32, #tpu.memory_space<vmem>> -> memref<80xi32, #tpu.memory_space<vmem>>
    %dma_start3A_14 = arith.constant 0 : i32
    %dma_start3A_15 = arith.constant 0 : i32
    %dma_start3A_16 = tpu.memref_slice %arg2[%dma_start3A_14, %dma_start3A_15] : memref<10000x128xf32, #tpu.memory_space<hbm>> -> memref<10000x128xf32, #tpu.memory_space<hbm>>
    tpu.enqueue_indirect_dma source(%dma_start3A_16 : memref<10000x128xf32, #tpu.memory_space<hbm>>) target(%arg9 : memref<80x128xf32, #tpu.memory_space<vmem>>) offsets(%dma_start3A_13 : memref<80xi32, #tpu.memory_space<vmem>>) semaphore(%arg19 : memref<!tpu.dma_semaphore, #tpu.memory_space<semaphore_mem>>)
    %dma_start3A_17 = arith.constant 80 : i32
    %dma_start3A_18 = tpu.memref_slice %arg7[%dma_start3A_17] : memref<10000xi32, #tpu.memory_space<vmem>> -> memref<80xi32, #tpu.memory_space<vmem>>
    %dma_start3A_19 = arith.constant 0 : i32
    %dma_start3A_20 = arith.constant 0 : i32
    %dma_start3A_21 = tpu.memref_slice %arg2[%dma_start3A_19, %dma_start3A_20] : memref<10000x128xf32, #tpu.memory_space<hbm>> -> memref<10000x128xf32, #tpu.memory_space<hbm>>
    tpu.enqueue_indirect_dma source(%dma_start3A_21 : memref<10000x128xf32, #tpu.memory_space<hbm>>) target(%arg14 : memref<80x128xf32, #tpu.memory_space<vmem>>) offsets(%dma_start3A_18 : memref<80xi32, #tpu.memory_space<vmem>>) semaphore(%arg19 : memref<!tpu.dma_semaphore, #tpu.memory_space<semaphore_mem>>)
    %dma_start3A_22 = arith.constant 160 : i32
    %dma_start3A_23 = tpu.memref_slice %arg6[%dma_start3A_22] : memref<10000xi32, #tpu.memory_space<vmem>> -> memref<80xi32, #tpu.memory_space<vmem>>
    %dma_start3A_24 = arith.constant 0 : i32
    %dma_start3A_25 = arith.constant 0 : i32
    %dma_start3A_26 = tpu.memref_slice %arg2[%dma_start3A_24, %dma_start3A_25] : memref<10000x128xf32, #tpu.memory_space<hbm>> -> memref<10000x128xf32, #tpu.memory_space<hbm>>
    tpu.enqueue_indirect_dma source(%dma_start3A_26 : memref<10000x128xf32, #tpu.memory_space<hbm>>) target(%arg10 : memref<80x128xf32, #tpu.memory_space<vmem>>) offsets(%dma_start3A_23 : memref<80xi32, #tpu.memory_space<vmem>>) semaphore(%arg20 : memref<!tpu.dma_semaphore, #tpu.memory_space<semaphore_mem>>)
    %dma_start3A_27 = arith.constant 160 : i32
    %dma_start3A_28 = tpu.memref_slice %arg7[%dma_start3A_27] : memref<10000xi32, #tpu.memory_space<vmem>> -> memref<80xi32, #tpu.memory_space<vmem>>
    %dma_start3A_29 = arith.constant 0 : i32
    %dma_start3A_30 = arith.constant 0 : i32
    %dma_start3A_31 = tpu.memref_slice %arg2[%dma_start3A_29, %dma_start3A_30] : memref<10000x128xf32, #tpu.memory_space<hbm>> -> memref<10000x128xf32, #tpu.memory_space<hbm>>
    tpu.enqueue_indirect_dma source(%dma_start3A_31 : memref<10000x128xf32, #tpu.memory_space<hbm>>) target(%arg15 : memref<80x128xf32, #tpu.memory_space<vmem>>) offsets(%dma_start3A_28 : memref<80xi32, #tpu.memory_space<vmem>>) semaphore(%arg20 : memref<!tpu.dma_semaphore, #tpu.memory_space<semaphore_mem>>)
    %scan3A = arith.constant 0 : i32
    %scan3A_32 = arith.constant 0 : i32
    %scan3A_33 = arith.constant 25 : i32
    %scan3A_34 = arith.addi %scan3A_32, %scan3A_33 : i32
    %scan3A_35 = arith.constant 1 : i32
    scf.for %scan3A_56 = %scan3A_32 to %scan3A_34 step %scan3A_35  : i32 {
      %mul3A_57 = arith.constant 5 : i32
      %mul3A_58 = arith.muli %mul3A_57, %scan3A_56 : i32
      %add3A_59 = arith.constant 0 : i32
      %add3A_60 = arith.addi %mul3A_58, %add3A_59 : i32
      %add3A_61 = arith.constant 3 : i32
      %add3A_62 = arith.addi %add3A_60, %add3A_61 : i32
      %lt3A = arith.constant 125 : i32
      %lt3A_63 = arith.cmpi slt, %add3A_62, %lt3A : i32
      %convert_element_type3A = arith.extui %lt3A_63 : i1 to i32
      %cond3A = arith.constant 0 : i32
      %cond3A_64 = arith.cmpi ne, %convert_element_type3A, %cond3A : i32
      scf.if %cond3A_64 {
        %ge3A = arith.constant 2 : i32
        %ge3A_224 = arith.cmpi sge, %add3A_60, %ge3A : i32
        %convert_element_type3A_225 = arith.extui %ge3A_224 : i1 to i32
        %cond3A_226 = arith.constant 0 : i32
        %cond3A_227 = arith.cmpi ne, %convert_element_type3A_225, %cond3A_226 : i32
        scf.if %cond3A_227 {
          %dma_wait3A_240 = arith.constant 0 : i32
          %dma_wait3A_241 = tpu.memref_slice %arg5[%mul3A_2, %dma_wait3A_240] : memref<320000x128xf32, #tpu.memory_space<hbm>> -> memref<80x128xf32, #tpu.memory_space<hbm>>
          %dma_wait3A_242 = arith.constant 0 : i32
          %dma_wait3A_243 = tpu.memref_slice %arg5[%mul3A_2, %dma_wait3A_242] : memref<320000x128xf32, #tpu.memory_space<hbm>> -> memref<80x128xf32, #tpu.memory_space<hbm>>
          tpu.wait_dma2 semaphore(%arg26 : memref<!tpu.dma_semaphore, #tpu.memory_space<semaphore_mem>>) src(%arg11 : memref<80x128xf32, #tpu.memory_space<vmem>>) dst(%dma_wait3A_243 : memref<80x128xf32, #tpu.memory_space<hbm>>)
        } else {
        }
        %add3A_228 = arith.constant 3 : i32
        %add3A_229 = arith.addi %add3A_60, %add3A_228 : i32
        %mul3A_230 = arith.constant 80 : i32
        %mul3A_231 = arith.muli %add3A_229, %mul3A_230 : i32
        %dma_start3A_232 = tpu.memref_slice %arg6[%mul3A_231] : memref<10000xi32, #tpu.memory_space<vmem>> -> memref<80xi32, #tpu.memory_space<vmem>>
        %dma_start3A_233 = arith.constant 0 : i32
        %dma_start3A_234 = arith.constant 0 : i32
        %dma_start3A_235 = tpu.memref_slice %arg2[%dma_start3A_233, %dma_start3A_234] : memref<10000x128xf32, #tpu.memory_space<hbm>> -> memref<10000x128xf32, #tpu.memory_space<hbm>>
        tpu.enqueue_indirect_dma source(%dma_start3A_235 : memref<10000x128xf32, #tpu.memory_space<hbm>>) target(%arg11 : memref<80x128xf32, #tpu.memory_space<vmem>>) offsets(%dma_start3A_232 : memref<80xi32, #tpu.memory_space<vmem>>) semaphore(%arg21 : memref<!tpu.dma_semaphore, #tpu.memory_space<semaphore_mem>>)
        %dma_start3A_236 = tpu.memref_slice %arg7[%mul3A_231] : memref<10000xi32, #tpu.memory_space<vmem>> -> memref<80xi32, #tpu.memory_space<vmem>>
        %dma_start3A_237 = arith.constant 0 : i32
        %dma_start3A_238 = arith.constant 0 : i32
        %dma_start3A_239 = tpu.memref_slice %arg2[%dma_start3A_237, %dma_start3A_238] : memref<10000x128xf32, #tpu.memory_space<hbm>> -> memref<10000x128xf32, #tpu.memory_space<hbm>>
        tpu.enqueue_indirect_dma source(%dma_start3A_239 : memref<10000x128xf32, #tpu.memory_space<hbm>>) target(%arg16 : memref<80x128xf32, #tpu.memory_space<vmem>>) offsets(%dma_start3A_236 : memref<80xi32, #tpu.memory_space<vmem>>) semaphore(%arg21 : memref<!tpu.dma_semaphore, #tpu.memory_space<semaphore_mem>>)
      } else {
      }
      %dma_wait3A_65 = arith.constant 0 : i32
      %dma_wait3A_66 = tpu.memref_slice %arg6[%dma_wait3A_65] : memref<10000xi32, #tpu.memory_space<vmem>> -> memref<80xi32, #tpu.memory_space<vmem>>
      %dma_wait3A_67 = arith.constant 0 : i32
      %dma_wait3A_68 = arith.constant 0 : i32
      %dma_wait3A_69 = tpu.memref_slice %arg2[%dma_wait3A_67, %dma_wait3A_68] : memref<10000x128xf32, #tpu.memory_space<hbm>> -> memref<10000x128xf32, #tpu.memory_space<hbm>>
      tpu.wait_indirect_dma semaphore(%arg18 : memref<!tpu.dma_semaphore, #tpu.memory_space<semaphore_mem>>) src(%dma_wait3A_69 : memref<10000x128xf32, #tpu.memory_space<hbm>>) dst(%arg8 : memref<80x128xf32, #tpu.memory_space<vmem>>)
      %dma_wait3A_70 = arith.constant 0 : i32
      %dma_wait3A_71 = tpu.memref_slice %arg7[%dma_wait3A_70] : memref<10000xi32, #tpu.memory_space<vmem>> -> memref<80xi32, #tpu.memory_space<vmem>>
      %dma_wait3A_72 = arith.constant 0 : i32
      %dma_wait3A_73 = arith.constant 0 : i32
      %dma_wait3A_74 = tpu.memref_slice %arg2[%dma_wait3A_72, %dma_wait3A_73] : memref<10000x128xf32, #tpu.memory_space<hbm>> -> memref<10000x128xf32, #tpu.memory_space<hbm>>
      tpu.wait_indirect_dma semaphore(%arg18 : memref<!tpu.dma_semaphore, #tpu.memory_space<semaphore_mem>>) src(%dma_wait3A_74 : memref<10000x128xf32, #tpu.memory_space<hbm>>) dst(%arg13 : memref<80x128xf32, #tpu.memory_space<vmem>>)
      %scan3A_75 = arith.constant 0 : i32
      %scan3A_76 = arith.constant 0 : i32
      %scan3A_77 = arith.constant 80 : i32
      %scan3A_78 = arith.addi %scan3A_76, %scan3A_77 : i32
      %scan3A_79 = arith.constant 1 : i32
      scf.for %scan3A_224 = %scan3A_76 to %scan3A_78 step %scan3A_79  : i32 {
        %get3A = arith.index_cast %scan3A_224 : i32 to index
        %get3A_225 = arith.constant 0 : index
        %get3A_226 = tpu.vector_load %arg8[%get3A, %get3A_225] {strides = array<i32>} : memref<80x128xf32, #tpu.memory_space<vmem>>, vector<1x16xf32>,
        %get3A_227 = vector.shape_cast %get3A_226 : vector<1x16xf32> to vector<16xf32>
        %get3A_228 = arith.index_cast %scan3A_224 : i32 to index
        %get3A_229 = arith.constant 0 : index
        %get3A_230 = tpu.vector_load %arg13[%get3A_228, %get3A_229] {strides = array<i32>} : memref<80x128xf32, #tpu.memory_space<vmem>>, vector<1x16xf32>,
        %get3A_231 = vector.shape_cast %get3A_230 : vector<1x16xf32> to vector<16xf32>
        %mul3A_232 = arith.mulf %get3A_227, %get3A_231 : vector<16xf32>
        %swap3A = arith.index_cast %scan3A_224 : i32 to index
        %swap3A_233 = arith.constant 0 : index
        %swap3A_234 = tpu.vector_load %arg8[%swap3A, %swap3A_233] {strides = array<i32>} : memref<80x128xf32, #tpu.memory_space<vmem>>, vector<1x16xf32>,
        %swap3A_235 = vector.shape_cast %swap3A_234 : vector<1x16xf32> to vector<16xf32>
        %swap3A_236 = vector.shape_cast %mul3A_232 : vector<16xf32> to vector<1x16xf32>
        tpu.vector_store %arg8[%swap3A, %swap3A_233], %swap3A_236 {strides = array<i32>} : memref<80x128xf32, #tpu.memory_space<vmem>>, vector<1x16xf32>,
        %get3A_237 = arith.index_cast %scan3A_224 : i32 to index
        %get3A_238 = arith.constant 16 : index
        %get3A_239 = tpu.vector_load %arg8[%get3A_237, %get3A_238] {strides = array<i32>} : memref<80x128xf32, #tpu.memory_space<vmem>>, vector<1x16xf32>,
        %get3A_240 = vector.shape_cast %get3A_239 : vector<1x16xf32> to vector<16xf32>
        %get3A_241 = arith.index_cast %scan3A_224 : i32 to index
        %get3A_242 = arith.constant 16 : index
        %get3A_243 = tpu.vector_load %arg13[%get3A_241, %get3A_242] {strides = array<i32>} : memref<80x128xf32, #tpu.memory_space<vmem>>, vector<1x16xf32>,
        %get3A_244 = vector.shape_cast %get3A_243 : vector<1x16xf32> to vector<16xf32>
        %mul3A_245 = arith.mulf %get3A_240, %get3A_244 : vector<16xf32>
        %swap3A_246 = arith.index_cast %scan3A_224 : i32 to index
        %swap3A_247 = arith.constant 16 : index
        %swap3A_248 = tpu.vector_load %arg8[%swap3A_246, %swap3A_247] {strides = array<i32>} : memref<80x128xf32, #tpu.memory_space<vmem>>, vector<1x16xf32>,
        %swap3A_249 = vector.shape_cast %swap3A_248 : vector<1x16xf32> to vector<16xf32>
        %swap3A_250 = vector.shape_cast %mul3A_245 : vector<16xf32> to vector<1x16xf32>
        tpu.vector_store %arg8[%swap3A_246, %swap3A_247], %swap3A_250 {strides = array<i32>} : memref<80x128xf32, #tpu.memory_space<vmem>>, vector<1x16xf32>,
        %get3A_251 = arith.index_cast %scan3A_224 : i32 to index
        %get3A_252 = arith.constant 32 : index
        %get3A_253 = tpu.vector_load %arg8[%get3A_251, %get3A_252] {strides = array<i32>} : memref<80x128xf32, #tpu.memory_space<vmem>>, vector<1x16xf32>,
        %get3A_254 = vector.shape_cast %get3A_253 : vector<1x16xf32> to vector<16xf32>
        %get3A_255 = arith.index_cast %scan3A_224 : i32 to index
        %get3A_256 = arith.constant 32 : index
        %get3A_257 = tpu.vector_load %arg13[%get3A_255, %get3A_256] {strides = array<i32>} : memref<80x128xf32, #tpu.memory_space<vmem>>, vector<1x16xf32>,
        %get3A_258 = vector.shape_cast %get3A_257 : vector<1x16xf32> to vector<16xf32>
        %mul3A_259 = arith.mulf %get3A_254, %get3A_258 : vector<16xf32>
        %swap3A_260 = arith.index_cast %scan3A_224 : i32 to index
        %swap3A_261 = arith.constant 32 : index
        %swap3A_262 = tpu.vector_load %arg8[%swap3A_260, %swap3A_261] {strides = array<i32>} : memref<80x128xf32, #tpu.memory_space<vmem>>, vector<1x16xf32>,
        %swap3A_263 = vector.shape_cast %swap3A_262 : vector<1x16xf32> to vector<16xf32>
        %swap3A_264 = vector.shape_cast %mul3A_259 : vector<16xf32> to vector<1x16xf32>
        tpu.vector_store %arg8[%swap3A_260, %swap3A_261], %swap3A_264 {strides = array<i32>} : memref<80x128xf32, #tpu.memory_space<vmem>>, vector<1x16xf32>,
        %get3A_265 = arith.index_cast %scan3A_224 : i32 to index
        %get3A_266 = arith.constant 48 : index
        %get3A_267 = tpu.vector_load %arg8[%get3A_265, %get3A_266] {strides = array<i32>} : memref<80x128xf32, #tpu.memory_space<vmem>>, vector<1x16xf32>,
        %get3A_268 = vector.shape_cast %get3A_267 : vector<1x16xf32> to vector<16xf32>
        %get3A_269 = arith.index_cast %scan3A_224 : i32 to index
        %get3A_270 = arith.constant 48 : index
        %get3A_271 = tpu.vector_load %arg13[%get3A_269, %get3A_270] {strides = array<i32>} : memref<80x128xf32, #tpu.memory_space<vmem>>, vector<1x16xf32>,
        %get3A_272 = vector.shape_cast %get3A_271 : vector<1x16xf32> to vector<16xf32>
        %mul3A_273 = arith.mulf %get3A_268, %get3A_272 : vector<16xf32>
        %swap3A_274 = arith.index_cast %scan3A_224 : i32 to index
        %swap3A_275 = arith.constant 48 : index
        %swap3A_276 = tpu.vector_load %arg8[%swap3A_274, %swap3A_275] {strides = array<i32>} : memref<80x128xf32, #tpu.memory_space<vmem>>, vector<1x16xf32>,
        %swap3A_277 = vector.shape_cast %swap3A_276 : vector<1x16xf32> to vector<16xf32>
        %swap3A_278 = vector.shape_cast %mul3A_273 : vector<16xf32> to vector<1x16xf32>
        tpu.vector_store %arg8[%swap3A_274, %swap3A_275], %swap3A_278 {strides = array<i32>} : memref<80x128xf32, #tpu.memory_space<vmem>>, vector<1x16xf32>,
        %get3A_279 = arith.index_cast %scan3A_224 : i32 to index
        %get3A_280 = arith.constant 64 : index
        %get3A_281 = tpu.vector_load %arg8[%get3A_279, %get3A_280] {strides = array<i32>} : memref<80x128xf32, #tpu.memory_space<vmem>>, vector<1x16xf32>,
        %get3A_282 = vector.shape_cast %get3A_281 : vector<1x16xf32> to vector<16xf32>
        %get3A_283 = arith.index_cast %scan3A_224 : i32 to index
        %get3A_284 = arith.constant 64 : index
        %get3A_285 = tpu.vector_load %arg13[%get3A_283, %get3A_284] {strides = array<i32>} : memref<80x128xf32, #tpu.memory_space<vmem>>, vector<1x16xf32>,
        %get3A_286 = vector.shape_cast %get3A_285 : vector<1x16xf32> to vector<16xf32>
        %mul3A_287 = arith.mulf %get3A_282, %get3A_286 : vector<16xf32>
        %swap3A_288 = arith.index_cast %scan3A_224 : i32 to index
        %swap3A_289 = arith.constant 64 : index
        %swap3A_290 = tpu.vector_load %arg8[%swap3A_288, %swap3A_289] {strides = array<i32>} : memref<80x128xf32, #tpu.memory_space<vmem>>, vector<1x16xf32>,
        %swap3A_291 = vector.shape_cast %swap3A_290 : vector<1x16xf32> to vector<16xf32>
        %swap3A_292 = vector.shape_cast %mul3A_287 : vector<16xf32> to vector<1x16xf32>
        tpu.vector_store %arg8[%swap3A_288, %swap3A_289], %swap3A_292 {strides = array<i32>} : memref<80x128xf32, #tpu.memory_space<vmem>>, vector<1x16xf32>,
        %get3A_293 = arith.index_cast %scan3A_224 : i32 to index
        %get3A_294 = arith.constant 80 : index
        %get3A_295 = tpu.vector_load %arg8[%get3A_293, %get3A_294] {strides = array<i32>} : memref<80x128xf32, #tpu.memory_space<vmem>>, vector<1x16xf32>,
        %get3A_296 = vector.shape_cast %get3A_295 : vector<1x16xf32> to vector<16xf32>
        %get3A_297 = arith.index_cast %scan3A_224 : i32 to index
        %get3A_298 = arith.constant 80 : index
        %get3A_299 = tpu.vector_load %arg13[%get3A_297, %get3A_298] {strides = array<i32>} : memref<80x128xf32, #tpu.memory_space<vmem>>, vector<1x16xf32>,
        %get3A_300 = vector.shape_cast %get3A_299 : vector<1x16xf32> to vector<16xf32>
        %mul3A_301 = arith.mulf %get3A_296, %get3A_300 : vector<16xf32>
        %swap3A_302 = arith.index_cast %scan3A_224 : i32 to index
        %swap3A_303 = arith.constant 80 : index
        %swap3A_304 = tpu.vector_load %arg8[%swap3A_302, %swap3A_303] {strides = array<i32>} : memref<80x128xf32, #tpu.memory_space<vmem>>, vector<1x16xf32>,
        %swap3A_305 = vector.shape_cast %swap3A_304 : vector<1x16xf32> to vector<16xf32>
        %swap3A_306 = vector.shape_cast %mul3A_301 : vector<16xf32> to vector<1x16xf32>
        tpu.vector_store %arg8[%swap3A_302, %swap3A_303], %swap3A_306 {strides = array<i32>} : memref<80x128xf32, #tpu.memory_space<vmem>>, vector<1x16xf32>,
        %get3A_307 = arith.index_cast %scan3A_224 : i32 to index
        %get3A_308 = arith.constant 96 : index
        %get3A_309 = tpu.vector_load %arg8[%get3A_307, %get3A_308] {strides = array<i32>} : memref<80x128xf32, #tpu.memory_space<vmem>>, vector<1x16xf32>,
        %get3A_310 = vector.shape_cast %get3A_309 : vector<1x16xf32> to vector<16xf32>
        %get3A_311 = arith.index_cast %scan3A_224 : i32 to index
        %get3A_312 = arith.constant 96 : index
        %get3A_313 = tpu.vector_load %arg13[%get3A_311, %get3A_312] {strides = array<i32>} : memref<80x128xf32, #tpu.memory_space<vmem>>, vector<1x16xf32>,
        %get3A_314 = vector.shape_cast %get3A_313 : vector<1x16xf32> to vector<16xf32>
        %mul3A_315 = arith.mulf %get3A_310, %get3A_314 : vector<16xf32>
        %swap3A_316 = arith.index_cast %scan3A_224 : i32 to index
        %swap3A_317 = arith.constant 96 : index
        %swap3A_318 = tpu.vector_load %arg8[%swap3A_316, %swap3A_317] {strides = array<i32>} : memref<80x128xf32, #tpu.memory_space<vmem>>, vector<1x16xf32>,
        %swap3A_319 = vector.shape_cast %swap3A_318 : vector<1x16xf32> to vector<16xf32>
        %swap3A_320 = vector.shape_cast %mul3A_315 : vector<16xf32> to vector<1x16xf32>
        tpu.vector_store %arg8[%swap3A_316, %swap3A_317], %swap3A_320 {strides = array<i32>} : memref<80x128xf32, #tpu.memory_space<vmem>>, vector<1x16xf32>,
        %get3A_321 = arith.index_cast %scan3A_224 : i32 to index
        %get3A_322 = arith.constant 112 : index
        %get3A_323 = tpu.vector_load %arg8[%get3A_321, %get3A_322] {strides = array<i32>} : memref<80x128xf32, #tpu.memory_space<vmem>>, vector<1x16xf32>,
        %get3A_324 = vector.shape_cast %get3A_323 : vector<1x16xf32> to vector<16xf32>
        %get3A_325 = arith.index_cast %scan3A_224 : i32 to index
        %get3A_326 = arith.constant 112 : index
        %get3A_327 = tpu.vector_load %arg13[%get3A_325, %get3A_326] {strides = array<i32>} : memref<80x128xf32, #tpu.memory_space<vmem>>, vector<1x16xf32>,
        %get3A_328 = vector.shape_cast %get3A_327 : vector<1x16xf32> to vector<16xf32>
        %mul3A_329 = arith.mulf %get3A_324, %get3A_328 : vector<16xf32>
        %swap3A_330 = arith.index_cast %scan3A_224 : i32 to index
        %swap3A_331 = arith.constant 112 : index
        %swap3A_332 = tpu.vector_load %arg8[%swap3A_330, %swap3A_331] {strides = array<i32>} : memref<80x128xf32, #tpu.memory_space<vmem>>, vector<1x16xf32>,
        %swap3A_333 = vector.shape_cast %swap3A_332 : vector<1x16xf32> to vector<16xf32>
        %swap3A_334 = vector.shape_cast %mul3A_329 : vector<16xf32> to vector<1x16xf32>
        tpu.vector_store %arg8[%swap3A_330, %swap3A_331], %swap3A_334 {strides = array<i32>} : memref<80x128xf32, #tpu.memory_space<vmem>>, vector<1x16xf32>,
      }
      %scan3A_80 = arith.constant 80 : i32
      %mul3A_81 = arith.constant 80 : i32
      %mul3A_82 = arith.muli %add3A_60, %mul3A_81 : i32
      %add3A_83 = arith.addi %mul3A_2, %mul3A_82 : i32
      %dma_start3A_84 = arith.constant 0 : i32
      %dma_start3A_85 = tpu.memref_slice %arg5[%add3A_83, %dma_start3A_84] : memref<320000x128xf32, #tpu.memory_space<hbm>> -> memref<80x128xf32, #tpu.memory_space<hbm>>
      %dma_start3A_86 = arith.constant 0 : i32
      %dma_start3A_87 = tpu.memref_slice %arg5[%add3A_83, %dma_start3A_86] : memref<320000x128xf32, #tpu.memory_space<hbm>> -> memref<80x128xf32, #tpu.memory_space<hbm>>
      tpu.enqueue_dma source(%arg8 : memref<80x128xf32, #tpu.memory_space<vmem>>) target(%dma_start3A_87 : memref<80x128xf32, #tpu.memory_space<hbm>>) target_semaphore(%arg23 : memref<!tpu.dma_semaphore, #tpu.memory_space<semaphore_mem>>)
      %mul3A_88 = arith.constant 5 : i32
      %mul3A_89 = arith.muli %mul3A_88, %scan3A_56 : i32
      %add3A_90 = arith.constant 1 : i32
      %add3A_91 = arith.addi %mul3A_89, %add3A_90 : i32
      %add3A_92 = arith.constant 3 : i32
      %add3A_93 = arith.addi %add3A_91, %add3A_92 : i32
      %lt3A_94 = arith.constant 125 : i32
      %lt3A_95 = arith.cmpi slt, %add3A_93, %lt3A_94 : i32
      %convert_element_type3A_96 = arith.extui %lt3A_95 : i1 to i32
      %cond3A_97 = arith.constant 0 : i32
      %cond3A_98 = arith.cmpi ne, %convert_element_type3A_96, %cond3A_97 : i32
      scf.if %cond3A_98 {
        %ge3A = arith.constant 2 : i32
        %ge3A_224 = arith.cmpi sge, %add3A_91, %ge3A : i32
        %convert_element_type3A_225 = arith.extui %ge3A_224 : i1 to i32
        %cond3A_226 = arith.constant 0 : i32
        %cond3A_227 = arith.cmpi ne, %convert_element_type3A_225, %cond3A_226 : i32
        scf.if %cond3A_227 {
          %dma_wait3A_240 = arith.constant 0 : i32
          %dma_wait3A_241 = tpu.memref_slice %arg5[%mul3A_2, %dma_wait3A_240] : memref<320000x128xf32, #tpu.memory_space<hbm>> -> memref<80x128xf32, #tpu.memory_space<hbm>>
          %dma_wait3A_242 = arith.constant 0 : i32
          %dma_wait3A_243 = tpu.memref_slice %arg5[%mul3A_2, %dma_wait3A_242] : memref<320000x128xf32, #tpu.memory_space<hbm>> -> memref<80x128xf32, #tpu.memory_space<hbm>>
          tpu.wait_dma2 semaphore(%arg27 : memref<!tpu.dma_semaphore, #tpu.memory_space<semaphore_mem>>) src(%arg12 : memref<80x128xf32, #tpu.memory_space<vmem>>) dst(%dma_wait3A_243 : memref<80x128xf32, #tpu.memory_space<hbm>>)
        } else {
        }
        %add3A_228 = arith.constant 3 : i32
        %add3A_229 = arith.addi %add3A_91, %add3A_228 : i32
        %mul3A_230 = arith.constant 80 : i32
        %mul3A_231 = arith.muli %add3A_229, %mul3A_230 : i32
        %dma_start3A_232 = tpu.memref_slice %arg6[%mul3A_231] : memref<10000xi32, #tpu.memory_space<vmem>> -> memref<80xi32, #tpu.memory_space<vmem>>
        %dma_start3A_233 = arith.constant 0 : i32
        %dma_start3A_234 = arith.constant 0 : i32
        %dma_start3A_235 = tpu.memref_slice %arg2[%dma_start3A_233, %dma_start3A_234] : memref<10000x128xf32, #tpu.memory_space<hbm>> -> memref<10000x128xf32, #tpu.memory_space<hbm>>
        tpu.enqueue_indirect_dma source(%dma_start3A_235 : memref<10000x128xf32, #tpu.memory_space<hbm>>) target(%arg12 : memref<80x128xf32, #tpu.memory_space<vmem>>) offsets(%dma_start3A_232 : memref<80xi32, #tpu.memory_space<vmem>>) semaphore(%arg22 : memref<!tpu.dma_semaphore, #tpu.memory_space<semaphore_mem>>)
        %dma_start3A_236 = tpu.memref_slice %arg7[%mul3A_231] : memref<10000xi32, #tpu.memory_space<vmem>> -> memref<80xi32, #tpu.memory_space<vmem>>
        %dma_start3A_237 = arith.constant 0 : i32
        %dma_start3A_238 = arith.constant 0 : i32
        %dma_start3A_239 = tpu.memref_slice %arg2[%dma_start3A_237, %dma_start3A_238] : memref<10000x128xf32, #tpu.memory_space<hbm>> -> memref<10000x128xf32, #tpu.memory_space<hbm>>
        tpu.enqueue_indirect_dma source(%dma_start3A_239 : memref<10000x128xf32, #tpu.memory_space<hbm>>) target(%arg17 : memref<80x128xf32, #tpu.memory_space<vmem>>) offsets(%dma_start3A_236 : memref<80xi32, #tpu.memory_space<vmem>>) semaphore(%arg22 : memref<!tpu.dma_semaphore, #tpu.memory_space<semaphore_mem>>)
      } else {
      }
      %dma_wait3A_99 = arith.constant 0 : i32
      %dma_wait3A_100 = tpu.memref_slice %arg6[%dma_wait3A_99] : memref<10000xi32, #tpu.memory_space<vmem>> -> memref<80xi32, #tpu.memory_space<vmem>>
      %dma_wait3A_101 = arith.constant 0 : i32
      %dma_wait3A_102 = arith.constant 0 : i32
      %dma_wait3A_103 = tpu.memref_slice %arg2[%dma_wait3A_101, %dma_wait3A_102] : memref<10000x128xf32, #tpu.memory_space<hbm>> -> memref<10000x128xf32, #tpu.memory_space<hbm>>
      tpu.wait_indirect_dma semaphore(%arg19 : memref<!tpu.dma_semaphore, #tpu.memory_space<semaphore_mem>>) src(%dma_wait3A_103 : memref<10000x128xf32, #tpu.memory_space<hbm>>) dst(%arg9 : memref<80x128xf32, #tpu.memory_space<vmem>>)
      %dma_wait3A_104 = arith.constant 0 : i32
      %dma_wait3A_105 = tpu.memref_slice %arg7[%dma_wait3A_104] : memref<10000xi32, #tpu.memory_space<vmem>> -> memref<80xi32, #tpu.memory_space<vmem>>
      %dma_wait3A_106 = arith.constant 0 : i32
      %dma_wait3A_107 = arith.constant 0 : i32
      %dma_wait3A_108 = tpu.memref_slice %arg2[%dma_wait3A_106, %dma_wait3A_107] : memref<10000x128xf32, #tpu.memory_space<hbm>> -> memref<10000x128xf32, #tpu.memory_space<hbm>>
      tpu.wait_indirect_dma semaphore(%arg19 : memref<!tpu.dma_semaphore, #tpu.memory_space<semaphore_mem>>) src(%dma_wait3A_108 : memref<10000x128xf32, #tpu.memory_space<hbm>>) dst(%arg14 : memref<80x128xf32, #tpu.memory_space<vmem>>)
      %scan3A_109 = arith.constant 0 : i32
      %scan3A_110 = arith.constant 0 : i32
      %scan3A_111 = arith.constant 80 : i32
      %scan3A_112 = arith.addi %scan3A_110, %scan3A_111 : i32
      %scan3A_113 = arith.constant 1 : i32
      scf.for %scan3A_224 = %scan3A_110 to %scan3A_112 step %scan3A_113  : i32 {
        %get3A = arith.index_cast %scan3A_224 : i32 to index
        %get3A_225 = arith.constant 0 : index
        %get3A_226 = tpu.vector_load %arg9[%get3A, %get3A_225] {strides = array<i32>} : memref<80x128xf32, #tpu.memory_space<vmem>>, vector<1x16xf32>,
        %get3A_227 = vector.shape_cast %get3A_226 : vector<1x16xf32> to vector<16xf32>
        %get3A_228 = arith.index_cast %scan3A_224 : i32 to index
        %get3A_229 = arith.constant 0 : index
        %get3A_230 = tpu.vector_load %arg14[%get3A_228, %get3A_229] {strides = array<i32>} : memref<80x128xf32, #tpu.memory_space<vmem>>, vector<1x16xf32>,
        %get3A_231 = vector.shape_cast %get3A_230 : vector<1x16xf32> to vector<16xf32>
        %mul3A_232 = arith.mulf %get3A_227, %get3A_231 : vector<16xf32>
        %swap3A = arith.index_cast %scan3A_224 : i32 to index
        %swap3A_233 = arith.constant 0 : index
        %swap3A_234 = tpu.vector_load %arg9[%swap3A, %swap3A_233] {strides = array<i32>} : memref<80x128xf32, #tpu.memory_space<vmem>>, vector<1x16xf32>,
        %swap3A_235 = vector.shape_cast %swap3A_234 : vector<1x16xf32> to vector<16xf32>
        %swap3A_236 = vector.shape_cast %mul3A_232 : vector<16xf32> to vector<1x16xf32>
        tpu.vector_store %arg9[%swap3A, %swap3A_233], %swap3A_236 {strides = array<i32>} : memref<80x128xf32, #tpu.memory_space<vmem>>, vector<1x16xf32>,
        %get3A_237 = arith.index_cast %scan3A_224 : i32 to index
        %get3A_238 = arith.constant 16 : index
        %get3A_239 = tpu.vector_load %arg9[%get3A_237, %get3A_238] {strides = array<i32>} : memref<80x128xf32, #tpu.memory_space<vmem>>, vector<1x16xf32>,
        %get3A_240 = vector.shape_cast %get3A_239 : vector<1x16xf32> to vector<16xf32>
        %get3A_241 = arith.index_cast %scan3A_224 : i32 to index
        %get3A_242 = arith.constant 16 : index
        %get3A_243 = tpu.vector_load %arg14[%get3A_241, %get3A_242] {strides = array<i32>} : memref<80x128xf32, #tpu.memory_space<vmem>>, vector<1x16xf32>,
        %get3A_244 = vector.shape_cast %get3A_243 : vector<1x16xf32> to vector<16xf32>
        %mul3A_245 = arith.mulf %get3A_240, %get3A_244 : vector<16xf32>
        %swap3A_246 = arith.index_cast %scan3A_224 : i32 to index
        %swap3A_247 = arith.constant 16 : index
        %swap3A_248 = tpu.vector_load %arg9[%swap3A_246, %swap3A_247] {strides = array<i32>} : memref<80x128xf32, #tpu.memory_space<vmem>>, vector<1x16xf32>,
        %swap3A_249 = vector.shape_cast %swap3A_248 : vector<1x16xf32> to vector<16xf32>
        %swap3A_250 = vector.shape_cast %mul3A_245 : vector<16xf32> to vector<1x16xf32>
        tpu.vector_store %arg9[%swap3A_246, %swap3A_247], %swap3A_250 {strides = array<i32>} : memref<80x128xf32, #tpu.memory_space<vmem>>, vector<1x16xf32>,
        %get3A_251 = arith.index_cast %scan3A_224 : i32 to index
        %get3A_252 = arith.constant 32 : index
        %get3A_253 = tpu.vector_load %arg9[%get3A_251, %get3A_252] {strides = array<i32>} : memref<80x128xf32, #tpu.memory_space<vmem>>, vector<1x16xf32>,
        %get3A_254 = vector.shape_cast %get3A_253 : vector<1x16xf32> to vector<16xf32>
        %get3A_255 = arith.index_cast %scan3A_224 : i32 to index
        %get3A_256 = arith.constant 32 : index
        %get3A_257 = tpu.vector_load %arg14[%get3A_255, %get3A_256] {strides = array<i32>} : memref<80x128xf32, #tpu.memory_space<vmem>>, vector<1x16xf32>,
        %get3A_258 = vector.shape_cast %get3A_257 : vector<1x16xf32> to vector<16xf32>
        %mul3A_259 = arith.mulf %get3A_254, %get3A_258 : vector<16xf32>
        %swap3A_260 = arith.index_cast %scan3A_224 : i32 to index
        %swap3A_261 = arith.constant 32 : index
        %swap3A_262 = tpu.vector_load %arg9[%swap3A_260, %swap3A_261] {strides = array<i32>} : memref<80x128xf32, #tpu.memory_space<vmem>>, vector<1x16xf32>,
        %swap3A_263 = vector.shape_cast %swap3A_262 : vector<1x16xf32> to vector<16xf32>
        %swap3A_264 = vector.shape_cast %mul3A_259 : vector<16xf32> to vector<1x16xf32>
        tpu.vector_store %arg9[%swap3A_260, %swap3A_261], %swap3A_264 {strides = array<i32>} : memref<80x128xf32, #tpu.memory_space<vmem>>, vector<1x16xf32>,
        %get3A_265 = arith.index_cast %scan3A_224 : i32 to index
        %get3A_266 = arith.constant 48 : index
        %get3A_267 = tpu.vector_load %arg9[%get3A_265, %get3A_266] {strides = array<i32>} : memref<80x128xf32, #tpu.memory_space<vmem>>, vector<1x16xf32>,
        %get3A_268 = vector.shape_cast %get3A_267 : vector<1x16xf32> to vector<16xf32>
        %get3A_269 = arith.index_cast %scan3A_224 : i32 to index
        %get3A_270 = arith.constant 48 : index
        %get3A_271 = tpu.vector_load %arg14[%get3A_269, %get3A_270] {strides = array<i32>} : memref<80x128xf32, #tpu.memory_space<vmem>>, vector<1x16xf32>,
        %get3A_272 = vector.shape_cast %get3A_271 : vector<1x16xf32> to vector<16xf32>
        %mul3A_273 = arith.mulf %get3A_268, %get3A_272 : vector<16xf32>
        %swap3A_274 = arith.index_cast %scan3A_224 : i32 to index
        %swap3A_275 = arith.constant 48 : index
        %swap3A_276 = tpu.vector_load %arg9[%swap3A_274, %swap3A_275] {strides = array<i32>} : memref<80x128xf32, #tpu.memory_space<vmem>>, vector<1x16xf32>,
        %swap3A_277 = vector.shape_cast %swap3A_276 : vector<1x16xf32> to vector<16xf32>
        %swap3A_278 = vector.shape_cast %mul3A_273 : vector<16xf32> to vector<1x16xf32>
        tpu.vector_store %arg9[%swap3A_274, %swap3A_275], %swap3A_278 {strides = array<i32>} : memref<80x128xf32, #tpu.memory_space<vmem>>, vector<1x16xf32>,
        %get3A_279 = arith.index_cast %scan3A_224 : i32 to index
        %get3A_280 = arith.constant 64 : index
        %get3A_281 = tpu.vector_load %arg9[%get3A_279, %get3A_280] {strides = array<i32>} : memref<80x128xf32, #tpu.memory_space<vmem>>, vector<1x16xf32>,
        %get3A_282 = vector.shape_cast %get3A_281 : vector<1x16xf32> to vector<16xf32>
        %get3A_283 = arith.index_cast %scan3A_224 : i32 to index
        %get3A_284 = arith.constant 64 : index
        %get3A_285 = tpu.vector_load %arg14[%get3A_283, %get3A_284] {strides = array<i32>} : memref<80x128xf32, #tpu.memory_space<vmem>>, vector<1x16xf32>,
        %get3A_286 = vector.shape_cast %get3A_285 : vector<1x16xf32> to vector<16xf32>
        %mul3A_287 = arith.mulf %get3A_282, %get3A_286 : vector<16xf32>
        %swap3A_288 = arith.index_cast %scan3A_224 : i32 to index
        %swap3A_289 = arith.constant 64 : index
        %swap3A_290 = tpu.vector_load %arg9[%swap3A_288, %swap3A_289] {strides = array<i32>} : memref<80x128xf32, #tpu.memory_space<vmem>>, vector<1x16xf32>,
        %swap3A_291 = vector.shape_cast %swap3A_290 : vector<1x16xf32> to vector<16xf32>
        %swap3A_292 = vector.shape_cast %mul3A_287 : vector<16xf32> to vector<1x16xf32>
        tpu.vector_store %arg9[%swap3A_288, %swap3A_289], %swap3A_292 {strides = array<i32>} : memref<80x128xf32, #tpu.memory_space<vmem>>, vector<1x16xf32>,
        %get3A_293 = arith.index_cast %scan3A_224 : i32 to index
        %get3A_294 = arith.constant 80 : index
        %get3A_295 = tpu.vector_load %arg9[%get3A_293, %get3A_294] {strides = array<i32>} : memref<80x128xf32, #tpu.memory_space<vmem>>, vector<1x16xf32>,
        %get3A_296 = vector.shape_cast %get3A_295 : vector<1x16xf32> to vector<16xf32>
        %get3A_297 = arith.index_cast %scan3A_224 : i32 to index
        %get3A_298 = arith.constant 80 : index
        %get3A_299 = tpu.vector_load %arg14[%get3A_297, %get3A_298] {strides = array<i32>} : memref<80x128xf32, #tpu.memory_space<vmem>>, vector<1x16xf32>,
        %get3A_300 = vector.shape_cast %get3A_299 : vector<1x16xf32> to vector<16xf32>
        %mul3A_301 = arith.mulf %get3A_296, %get3A_300 : vector<16xf32>
        %swap3A_302 = arith.index_cast %scan3A_224 : i32 to index
        %swap3A_303 = arith.constant 80 : index
        %swap3A_304 = tpu.vector_load %arg9[%swap3A_302, %swap3A_303] {strides = array<i32>} : memref<80x128xf32, #tpu.memory_space<vmem>>, vector<1x16xf32>,
        %swap3A_305 = vector.shape_cast %swap3A_304 : vector<1x16xf32> to vector<16xf32>
        %swap3A_306 = vector.shape_cast %mul3A_301 : vector<16xf32> to vector<1x16xf32>
        tpu.vector_store %arg9[%swap3A_302, %swap3A_303], %swap3A_306 {strides = array<i32>} : memref<80x128xf32, #tpu.memory_space<vmem>>, vector<1x16xf32>,
        %get3A_307 = arith.index_cast %scan3A_224 : i32 to index
        %get3A_308 = arith.constant 96 : index
        %get3A_309 = tpu.vector_load %arg9[%get3A_307, %get3A_308] {strides = array<i32>} : memref<80x128xf32, #tpu.memory_space<vmem>>, vector<1x16xf32>,
        %get3A_310 = vector.shape_cast %get3A_309 : vector<1x16xf32> to vector<16xf32>
        %get3A_311 = arith.index_cast %scan3A_224 : i32 to index
        %get3A_312 = arith.constant 96 : index
        %get3A_313 = tpu.vector_load %arg14[%get3A_311, %get3A_312] {strides = array<i32>} : memref<80x128xf32, #tpu.memory_space<vmem>>, vector<1x16xf32>,
        %get3A_314 = vector.shape_cast %get3A_313 : vector<1x16xf32> to vector<16xf32>
        %mul3A_315 = arith.mulf %get3A_310, %get3A_314 : vector<16xf32>
        %swap3A_316 = arith.index_cast %scan3A_224 : i32 to index
        %swap3A_317 = arith.constant 96 : index
        %swap3A_318 = tpu.vector_load %arg9[%swap3A_316, %swap3A_317] {strides = array<i32>} : memref<80x128xf32, #tpu.memory_space<vmem>>, vector<1x16xf32>,
        %swap3A_319 = vector.shape_cast %swap3A_318 : vector<1x16xf32> to vector<16xf32>
        %swap3A_320 = vector.shape_cast %mul3A_315 : vector<16xf32> to vector<1x16xf32>
        tpu.vector_store %arg9[%swap3A_316, %swap3A_317], %swap3A_320 {strides = array<i32>} : memref<80x128xf32, #tpu.memory_space<vmem>>, vector<1x16xf32>,
        %get3A_321 = arith.index_cast %scan3A_224 : i32 to index
        %get3A_322 = arith.constant 112 : index
        %get3A_323 = tpu.vector_load %arg9[%get3A_321, %get3A_322] {strides = array<i32>} : memref<80x128xf32, #tpu.memory_space<vmem>>, vector<1x16xf32>,
        %get3A_324 = vector.shape_cast %get3A_323 : vector<1x16xf32> to vector<16xf32>
        %get3A_325 = arith.index_cast %scan3A_224 : i32 to index
        %get3A_326 = arith.constant 112 : index
        %get3A_327 = tpu.vector_load %arg14[%get3A_325, %get3A_326] {strides = array<i32>} : memref<80x128xf32, #tpu.memory_space<vmem>>, vector<1x16xf32>,
        %get3A_328 = vector.shape_cast %get3A_327 : vector<1x16xf32> to vector<16xf32>
        %mul3A_329 = arith.mulf %get3A_324, %get3A_328 : vector<16xf32>
        %swap3A_330 = arith.index_cast %scan3A_224 : i32 to index
        %swap3A_331 = arith.constant 112 : index
        %swap3A_332 = tpu.vector_load %arg9[%swap3A_330, %swap3A_331] {strides = array<i32>} : memref<80x128xf32, #tpu.memory_space<vmem>>, vector<1x16xf32>,
        %swap3A_333 = vector.shape_cast %swap3A_332 : vector<1x16xf32> to vector<16xf32>
        %swap3A_334 = vector.shape_cast %mul3A_329 : vector<16xf32> to vector<1x16xf32>
        tpu.vector_store %arg9[%swap3A_330, %swap3A_331], %swap3A_334 {strides = array<i32>} : memref<80x128xf32, #tpu.memory_space<vmem>>, vector<1x16xf32>,
      }
      %scan3A_114 = arith.constant 80 : i32
      %mul3A_115 = arith.constant 80 : i32
      %mul3A_116 = arith.muli %add3A_91, %mul3A_115 : i32
      %add3A_117 = arith.addi %mul3A_2, %mul3A_116 : i32
      %dma_start3A_118 = arith.constant 0 : i32
      %dma_start3A_119 = tpu.memref_slice %arg5[%add3A_117, %dma_start3A_118] : memref<320000x128xf32, #tpu.memory_space<hbm>> -> memref<80x128xf32, #tpu.memory_space<hbm>>
      %dma_start3A_120 = arith.constant 0 : i32
      %dma_start3A_121 = tpu.memref_slice %arg5[%add3A_117, %dma_start3A_120] : memref<320000x128xf32, #tpu.memory_space<hbm>> -> memref<80x128xf32, #tpu.memory_space<hbm>>
      tpu.enqueue_dma source(%arg9 : memref<80x128xf32, #tpu.memory_space<vmem>>) target(%dma_start3A_121 : memref<80x128xf32, #tpu.memory_space<hbm>>) target_semaphore(%arg24 : memref<!tpu.dma_semaphore, #tpu.memory_space<semaphore_mem>>)
      %mul3A_122 = arith.constant 5 : i32
      %mul3A_123 = arith.muli %mul3A_122, %scan3A_56 : i32
      %add3A_124 = arith.constant 2 : i32
      %add3A_125 = arith.addi %mul3A_123, %add3A_124 : i32
      %add3A_126 = arith.constant 3 : i32
      %add3A_127 = arith.addi %add3A_125, %add3A_126 : i32
      %lt3A_128 = arith.constant 125 : i32
      %lt3A_129 = arith.cmpi slt, %add3A_127, %lt3A_128 : i32
      %convert_element_type3A_130 = arith.extui %lt3A_129 : i1 to i32
      %cond3A_131 = arith.constant 0 : i32
      %cond3A_132 = arith.cmpi ne, %convert_element_type3A_130, %cond3A_131 : i32
      scf.if %cond3A_132 {
        %ge3A = arith.constant 2 : i32
        %ge3A_224 = arith.cmpi sge, %add3A_125, %ge3A : i32
        %convert_element_type3A_225 = arith.extui %ge3A_224 : i1 to i32
        %cond3A_226 = arith.constant 0 : i32
        %cond3A_227 = arith.cmpi ne, %convert_element_type3A_225, %cond3A_226 : i32
        scf.if %cond3A_227 {
          %dma_wait3A_240 = arith.constant 0 : i32
          %dma_wait3A_241 = tpu.memref_slice %arg5[%mul3A_2, %dma_wait3A_240] : memref<320000x128xf32, #tpu.memory_space<hbm>> -> memref<80x128xf32, #tpu.memory_space<hbm>>
          %dma_wait3A_242 = arith.constant 0 : i32
          %dma_wait3A_243 = tpu.memref_slice %arg5[%mul3A_2, %dma_wait3A_242] : memref<320000x128xf32, #tpu.memory_space<hbm>> -> memref<80x128xf32, #tpu.memory_space<hbm>>
          tpu.wait_dma2 semaphore(%arg23 : memref<!tpu.dma_semaphore, #tpu.memory_space<semaphore_mem>>) src(%arg8 : memref<80x128xf32, #tpu.memory_space<vmem>>) dst(%dma_wait3A_243 : memref<80x128xf32, #tpu.memory_space<hbm>>)
        } else {
        }
        %add3A_228 = arith.constant 3 : i32
        %add3A_229 = arith.addi %add3A_125, %add3A_228 : i32
        %mul3A_230 = arith.constant 80 : i32
        %mul3A_231 = arith.muli %add3A_229, %mul3A_230 : i32
        %dma_start3A_232 = tpu.memref_slice %arg6[%mul3A_231] : memref<10000xi32, #tpu.memory_space<vmem>> -> memref<80xi32, #tpu.memory_space<vmem>>
        %dma_start3A_233 = arith.constant 0 : i32
        %dma_start3A_234 = arith.constant 0 : i32
        %dma_start3A_235 = tpu.memref_slice %arg2[%dma_start3A_233, %dma_start3A_234] : memref<10000x128xf32, #tpu.memory_space<hbm>> -> memref<10000x128xf32, #tpu.memory_space<hbm>>
        tpu.enqueue_indirect_dma source(%dma_start3A_235 : memref<10000x128xf32, #tpu.memory_space<hbm>>) target(%arg8 : memref<80x128xf32, #tpu.memory_space<vmem>>) offsets(%dma_start3A_232 : memref<80xi32, #tpu.memory_space<vmem>>) semaphore(%arg18 : memref<!tpu.dma_semaphore, #tpu.memory_space<semaphore_mem>>)
        %dma_start3A_236 = tpu.memref_slice %arg7[%mul3A_231] : memref<10000xi32, #tpu.memory_space<vmem>> -> memref<80xi32, #tpu.memory_space<vmem>>
        %dma_start3A_237 = arith.constant 0 : i32
        %dma_start3A_238 = arith.constant 0 : i32
        %dma_start3A_239 = tpu.memref_slice %arg2[%dma_start3A_237, %dma_start3A_238] : memref<10000x128xf32, #tpu.memory_space<hbm>> -> memref<10000x128xf32, #tpu.memory_space<hbm>>
        tpu.enqueue_indirect_dma source(%dma_start3A_239 : memref<10000x128xf32, #tpu.memory_space<hbm>>) target(%arg13 : memref<80x128xf32, #tpu.memory_space<vmem>>) offsets(%dma_start3A_236 : memref<80xi32, #tpu.memory_space<vmem>>) semaphore(%arg18 : memref<!tpu.dma_semaphore, #tpu.memory_space<semaphore_mem>>)
      } else {
      }
      %dma_wait3A_133 = arith.constant 0 : i32
      %dma_wait3A_134 = tpu.memref_slice %arg6[%dma_wait3A_133] : memref<10000xi32, #tpu.memory_space<vmem>> -> memref<80xi32, #tpu.memory_space<vmem>>
      %dma_wait3A_135 = arith.constant 0 : i32
      %dma_wait3A_136 = arith.constant 0 : i32
      %dma_wait3A_137 = tpu.memref_slice %arg2[%dma_wait3A_135, %dma_wait3A_136] : memref<10000x128xf32, #tpu.memory_space<hbm>> -> memref<10000x128xf32, #tpu.memory_space<hbm>>
      tpu.wait_indirect_dma semaphore(%arg20 : memref<!tpu.dma_semaphore, #tpu.memory_space<semaphore_mem>>) src(%dma_wait3A_137 : memref<10000x128xf32, #tpu.memory_space<hbm>>) dst(%arg10 : memref<80x128xf32, #tpu.memory_space<vmem>>)
      %dma_wait3A_138 = arith.constant 0 : i32
      %dma_wait3A_139 = tpu.memref_slice %arg7[%dma_wait3A_138] : memref<10000xi32, #tpu.memory_space<vmem>> -> memref<80xi32, #tpu.memory_space<vmem>>
      %dma_wait3A_140 = arith.constant 0 : i32
      %dma_wait3A_141 = arith.constant 0 : i32
      %dma_wait3A_142 = tpu.memref_slice %arg2[%dma_wait3A_140, %dma_wait3A_141] : memref<10000x128xf32, #tpu.memory_space<hbm>> -> memref<10000x128xf32, #tpu.memory_space<hbm>>
      tpu.wait_indirect_dma semaphore(%arg20 : memref<!tpu.dma_semaphore, #tpu.memory_space<semaphore_mem>>) src(%dma_wait3A_142 : memref<10000x128xf32, #tpu.memory_space<hbm>>) dst(%arg15 : memref<80x128xf32, #tpu.memory_space<vmem>>)
      %scan3A_143 = arith.constant 0 : i32
      %scan3A_144 = arith.constant 0 : i32
      %scan3A_145 = arith.constant 80 : i32
      %scan3A_146 = arith.addi %scan3A_144, %scan3A_145 : i32
      %scan3A_147 = arith.constant 1 : i32
      scf.for %scan3A_224 = %scan3A_144 to %scan3A_146 step %scan3A_147  : i32 {
        %get3A = arith.index_cast %scan3A_224 : i32 to index
        %get3A_225 = arith.constant 0 : index
        %get3A_226 = tpu.vector_load %arg10[%get3A, %get3A_225] {strides = array<i32>} : memref<80x128xf32, #tpu.memory_space<vmem>>, vector<1x16xf32>,
        %get3A_227 = vector.shape_cast %get3A_226 : vector<1x16xf32> to vector<16xf32>
        %get3A_228 = arith.index_cast %scan3A_224 : i32 to index
        %get3A_229 = arith.constant 0 : index
        %get3A_230 = tpu.vector_load %arg15[%get3A_228, %get3A_229] {strides = array<i32>} : memref<80x128xf32, #tpu.memory_space<vmem>>, vector<1x16xf32>,
        %get3A_231 = vector.shape_cast %get3A_230 : vector<1x16xf32> to vector<16xf32>
        %mul3A_232 = arith.mulf %get3A_227, %get3A_231 : vector<16xf32>
        %swap3A = arith.index_cast %scan3A_224 : i32 to index
        %swap3A_233 = arith.constant 0 : index
        %swap3A_234 = tpu.vector_load %arg10[%swap3A, %swap3A_233] {strides = array<i32>} : memref<80x128xf32, #tpu.memory_space<vmem>>, vector<1x16xf32>,
        %swap3A_235 = vector.shape_cast %swap3A_234 : vector<1x16xf32> to vector<16xf32>
        %swap3A_236 = vector.shape_cast %mul3A_232 : vector<16xf32> to vector<1x16xf32>
        tpu.vector_store %arg10[%swap3A, %swap3A_233], %swap3A_236 {strides = array<i32>} : memref<80x128xf32, #tpu.memory_space<vmem>>, vector<1x16xf32>,
        %get3A_237 = arith.index_cast %scan3A_224 : i32 to index
        %get3A_238 = arith.constant 16 : index
        %get3A_239 = tpu.vector_load %arg10[%get3A_237, %get3A_238] {strides = array<i32>} : memref<80x128xf32, #tpu.memory_space<vmem>>, vector<1x16xf32>,
        %get3A_240 = vector.shape_cast %get3A_239 : vector<1x16xf32> to vector<16xf32>
        %get3A_241 = arith.index_cast %scan3A_224 : i32 to index
        %get3A_242 = arith.constant 16 : index
        %get3A_243 = tpu.vector_load %arg15[%get3A_241, %get3A_242] {strides = array<i32>} : memref<80x128xf32, #tpu.memory_space<vmem>>, vector<1x16xf32>,
        %get3A_244 = vector.shape_cast %get3A_243 : vector<1x16xf32> to vector<16xf32>
        %mul3A_245 = arith.mulf %get3A_240, %get3A_244 : vector<16xf32>
        %swap3A_246 = arith.index_cast %scan3A_224 : i32 to index
        %swap3A_247 = arith.constant 16 : index
        %swap3A_248 = tpu.vector_load %arg10[%swap3A_246, %swap3A_247] {strides = array<i32>} : memref<80x128xf32, #tpu.memory_space<vmem>>, vector<1x16xf32>,
        %swap3A_249 = vector.shape_cast %swap3A_248 : vector<1x16xf32> to vector<16xf32>
        %swap3A_250 = vector.shape_cast %mul3A_245 : vector<16xf32> to vector<1x16xf32>
        tpu.vector_store %arg10[%swap3A_246, %swap3A_247], %swap3A_250 {strides = array<i32>} : memref<80x128xf32, #tpu.memory_space<vmem>>, vector<1x16xf32>,
        %get3A_251 = arith.index_cast %scan3A_224 : i32 to index
        %get3A_252 = arith.constant 32 : index
        %get3A_253 = tpu.vector_load %arg10[%get3A_251, %get3A_252] {strides = array<i32>} : memref<80x128xf32, #tpu.memory_space<vmem>>, vector<1x16xf32>,
        %get3A_254 = vector.shape_cast %get3A_253 : vector<1x16xf32> to vector<16xf32>
        %get3A_255 = arith.index_cast %scan3A_224 : i32 to index
        %get3A_256 = arith.constant 32 : index
        %get3A_257 = tpu.vector_load %arg15[%get3A_255, %get3A_256] {strides = array<i32>} : memref<80x128xf32, #tpu.memory_space<vmem>>, vector<1x16xf32>,
        %get3A_258 = vector.shape_cast %get3A_257 : vector<1x16xf32> to vector<16xf32>
        %mul3A_259 = arith.mulf %get3A_254, %get3A_258 : vector<16xf32>
        %swap3A_260 = arith.index_cast %scan3A_224 : i32 to index
        %swap3A_261 = arith.constant 32 : index
        %swap3A_262 = tpu.vector_load %arg10[%swap3A_260, %swap3A_261] {strides = array<i32>} : memref<80x128xf32, #tpu.memory_space<vmem>>, vector<1x16xf32>,
        %swap3A_263 = vector.shape_cast %swap3A_262 : vector<1x16xf32> to vector<16xf32>
        %swap3A_264 = vector.shape_cast %mul3A_259 : vector<16xf32> to vector<1x16xf32>
        tpu.vector_store %arg10[%swap3A_260, %swap3A_261], %swap3A_264 {strides = array<i32>} : memref<80x128xf32, #tpu.memory_space<vmem>>, vector<1x16xf32>,
        %get3A_265 = arith.index_cast %scan3A_224 : i32 to index
        %get3A_266 = arith.constant 48 : index
        %get3A_267 = tpu.vector_load %arg10[%get3A_265, %get3A_266] {strides = array<i32>} : memref<80x128xf32, #tpu.memory_space<vmem>>, vector<1x16xf32>,
        %get3A_268 = vector.shape_cast %get3A_267 : vector<1x16xf32> to vector<16xf32>
        %get3A_269 = arith.index_cast %scan3A_224 : i32 to index
        %get3A_270 = arith.constant 48 : index
        %get3A_271 = tpu.vector_load %arg15[%get3A_269, %get3A_270] {strides = array<i32>} : memref<80x128xf32, #tpu.memory_space<vmem>>, vector<1x16xf32>,
        %get3A_272 = vector.shape_cast %get3A_271 : vector<1x16xf32> to vector<16xf32>
        %mul3A_273 = arith.mulf %get3A_268, %get3A_272 : vector<16xf32>
        %swap3A_274 = arith.index_cast %scan3A_224 : i32 to index
        %swap3A_275 = arith.constant 48 : index
        %swap3A_276 = tpu.vector_load %arg10[%swap3A_274, %swap3A_275] {strides = array<i32>} : memref<80x128xf32, #tpu.memory_space<vmem>>, vector<1x16xf32>,
        %swap3A_277 = vector.shape_cast %swap3A_276 : vector<1x16xf32> to vector<16xf32>
        %swap3A_278 = vector.shape_cast %mul3A_273 : vector<16xf32> to vector<1x16xf32>
        tpu.vector_store %arg10[%swap3A_274, %swap3A_275], %swap3A_278 {strides = array<i32>} : memref<80x128xf32, #tpu.memory_space<vmem>>, vector<1x16xf32>,
        %get3A_279 = arith.index_cast %scan3A_224 : i32 to index
        %get3A_280 = arith.constant 64 : index
        %get3A_281 = tpu.vector_load %arg10[%get3A_279, %get3A_280] {strides = array<i32>} : memref<80x128xf32, #tpu.memory_space<vmem>>, vector<1x16xf32>,
        %get3A_282 = vector.shape_cast %get3A_281 : vector<1x16xf32> to vector<16xf32>
        %get3A_283 = arith.index_cast %scan3A_224 : i32 to index
        %get3A_284 = arith.constant 64 : index
        %get3A_285 = tpu.vector_load %arg15[%get3A_283, %get3A_284] {strides = array<i32>} : memref<80x128xf32, #tpu.memory_space<vmem>>, vector<1x16xf32>,
        %get3A_286 = vector.shape_cast %get3A_285 : vector<1x16xf32> to vector<16xf32>
        %mul3A_287 = arith.mulf %get3A_282, %get3A_286 : vector<16xf32>
        %swap3A_288 = arith.index_cast %scan3A_224 : i32 to index
        %swap3A_289 = arith.constant 64 : index
        %swap3A_290 = tpu.vector_load %arg10[%swap3A_288, %swap3A_289] {strides = array<i32>} : memref<80x128xf32, #tpu.memory_space<vmem>>, vector<1x16xf32>,
        %swap3A_291 = vector.shape_cast %swap3A_290 : vector<1x16xf32> to vector<16xf32>
        %swap3A_292 = vector.shape_cast %mul3A_287 : vector<16xf32> to vector<1x16xf32>
        tpu.vector_store %arg10[%swap3A_288, %swap3A_289], %swap3A_292 {strides = array<i32>} : memref<80x128xf32, #tpu.memory_space<vmem>>, vector<1x16xf32>,
        %get3A_293 = arith.index_cast %scan3A_224 : i32 to index
        %get3A_294 = arith.constant 80 : index
        %get3A_295 = tpu.vector_load %arg10[%get3A_293, %get3A_294] {strides = array<i32>} : memref<80x128xf32, #tpu.memory_space<vmem>>, vector<1x16xf32>,
        %get3A_296 = vector.shape_cast %get3A_295 : vector<1x16xf32> to vector<16xf32>
        %get3A_297 = arith.index_cast %scan3A_224 : i32 to index
        %get3A_298 = arith.constant 80 : index
        %get3A_299 = tpu.vector_load %arg15[%get3A_297, %get3A_298] {strides = array<i32>} : memref<80x128xf32, #tpu.memory_space<vmem>>, vector<1x16xf32>,
        %get3A_300 = vector.shape_cast %get3A_299 : vector<1x16xf32> to vector<16xf32>
        %mul3A_301 = arith.mulf %get3A_296, %get3A_300 : vector<16xf32>
        %swap3A_302 = arith.index_cast %scan3A_224 : i32 to index
        %swap3A_303 = arith.constant 80 : index
        %swap3A_304 = tpu.vector_load %arg10[%swap3A_302, %swap3A_303] {strides = array<i32>} : memref<80x128xf32, #tpu.memory_space<vmem>>, vector<1x16xf32>,
        %swap3A_305 = vector.shape_cast %swap3A_304 : vector<1x16xf32> to vector<16xf32>
        %swap3A_306 = vector.shape_cast %mul3A_301 : vector<16xf32> to vector<1x16xf32>
        tpu.vector_store %arg10[%swap3A_302, %swap3A_303], %swap3A_306 {strides = array<i32>} : memref<80x128xf32, #tpu.memory_space<vmem>>, vector<1x16xf32>,
        %get3A_307 = arith.index_cast %scan3A_224 : i32 to index
        %get3A_308 = arith.constant 96 : index
        %get3A_309 = tpu.vector_load %arg10[%get3A_307, %get3A_308] {strides = array<i32>} : memref<80x128xf32, #tpu.memory_space<vmem>>, vector<1x16xf32>,
        %get3A_310 = vector.shape_cast %get3A_309 : vector<1x16xf32> to vector<16xf32>
        %get3A_311 = arith.index_cast %scan3A_224 : i32 to index
        %get3A_312 = arith.constant 96 : index
        %get3A_313 = tpu.vector_load %arg15[%get3A_311, %get3A_312] {strides = array<i32>} : memref<80x128xf32, #tpu.memory_space<vmem>>, vector<1x16xf32>,
        %get3A_314 = vector.shape_cast %get3A_313 : vector<1x16xf32> to vector<16xf32>
        %mul3A_315 = arith.mulf %get3A_310, %get3A_314 : vector<16xf32>
        %swap3A_316 = arith.index_cast %scan3A_224 : i32 to index
        %swap3A_317 = arith.constant 96 : index
        %swap3A_318 = tpu.vector_load %arg10[%swap3A_316, %swap3A_317] {strides = array<i32>} : memref<80x128xf32, #tpu.memory_space<vmem>>, vector<1x16xf32>,
        %swap3A_319 = vector.shape_cast %swap3A_318 : vector<1x16xf32> to vector<16xf32>
        %swap3A_320 = vector.shape_cast %mul3A_315 : vector<16xf32> to vector<1x16xf32>
        tpu.vector_store %arg10[%swap3A_316, %swap3A_317], %swap3A_320 {strides = array<i32>} : memref<80x128xf32, #tpu.memory_space<vmem>>, vector<1x16xf32>,
        %get3A_321 = arith.index_cast %scan3A_224 : i32 to index
        %get3A_322 = arith.constant 112 : index
        %get3A_323 = tpu.vector_load %arg10[%get3A_321, %get3A_322] {strides = array<i32>} : memref<80x128xf32, #tpu.memory_space<vmem>>, vector<1x16xf32>,
        %get3A_324 = vector.shape_cast %get3A_323 : vector<1x16xf32> to vector<16xf32>
        %get3A_325 = arith.index_cast %scan3A_224 : i32 to index
        %get3A_326 = arith.constant 112 : index
        %get3A_327 = tpu.vector_load %arg15[%get3A_325, %get3A_326] {strides = array<i32>} : memref<80x128xf32, #tpu.memory_space<vmem>>, vector<1x16xf32>,
        %get3A_328 = vector.shape_cast %get3A_327 : vector<1x16xf32> to vector<16xf32>
        %mul3A_329 = arith.mulf %get3A_324, %get3A_328 : vector<16xf32>
        %swap3A_330 = arith.index_cast %scan3A_224 : i32 to index
        %swap3A_331 = arith.constant 112 : index
        %swap3A_332 = tpu.vector_load %arg10[%swap3A_330, %swap3A_331] {strides = array<i32>} : memref<80x128xf32, #tpu.memory_space<vmem>>, vector<1x16xf32>,
        %swap3A_333 = vector.shape_cast %swap3A_332 : vector<1x16xf32> to vector<16xf32>
        %swap3A_334 = vector.shape_cast %mul3A_329 : vector<16xf32> to vector<1x16xf32>
        tpu.vector_store %arg10[%swap3A_330, %swap3A_331], %swap3A_334 {strides = array<i32>} : memref<80x128xf32, #tpu.memory_space<vmem>>, vector<1x16xf32>,
      }
      %scan3A_148 = arith.constant 80 : i32
      %mul3A_149 = arith.constant 80 : i32
      %mul3A_150 = arith.muli %add3A_125, %mul3A_149 : i32
      %add3A_151 = arith.addi %mul3A_2, %mul3A_150 : i32
      %dma_start3A_152 = arith.constant 0 : i32
      %dma_start3A_153 = tpu.memref_slice %arg5[%add3A_151, %dma_start3A_152] : memref<320000x128xf32, #tpu.memory_space<hbm>> -> memref<80x128xf32, #tpu.memory_space<hbm>>
      %dma_start3A_154 = arith.constant 0 : i32
      %dma_start3A_155 = tpu.memref_slice %arg5[%add3A_151, %dma_start3A_154] : memref<320000x128xf32, #tpu.memory_space<hbm>> -> memref<80x128xf32, #tpu.memory_space<hbm>>
      tpu.enqueue_dma source(%arg10 : memref<80x128xf32, #tpu.memory_space<vmem>>) target(%dma_start3A_155 : memref<80x128xf32, #tpu.memory_space<hbm>>) target_semaphore(%arg25 : memref<!tpu.dma_semaphore, #tpu.memory_space<semaphore_mem>>)
      %mul3A_156 = arith.constant 5 : i32
      %mul3A_157 = arith.muli %mul3A_156, %scan3A_56 : i32
      %add3A_158 = arith.constant 3 : i32
      %add3A_159 = arith.addi %mul3A_157, %add3A_158 : i32
      %add3A_160 = arith.constant 3 : i32
      %add3A_161 = arith.addi %add3A_159, %add3A_160 : i32
      %lt3A_162 = arith.constant 125 : i32
      %lt3A_163 = arith.cmpi slt, %add3A_161, %lt3A_162 : i32
      %convert_element_type3A_164 = arith.extui %lt3A_163 : i1 to i32
      %cond3A_165 = arith.constant 0 : i32
      %cond3A_166 = arith.cmpi ne, %convert_element_type3A_164, %cond3A_165 : i32
      scf.if %cond3A_166 {
        %ge3A = arith.constant 2 : i32
        %ge3A_224 = arith.cmpi sge, %add3A_159, %ge3A : i32
        %convert_element_type3A_225 = arith.extui %ge3A_224 : i1 to i32
        %cond3A_226 = arith.constant 0 : i32
        %cond3A_227 = arith.cmpi ne, %convert_element_type3A_225, %cond3A_226 : i32
        scf.if %cond3A_227 {
          %dma_wait3A_240 = arith.constant 0 : i32
          %dma_wait3A_241 = tpu.memref_slice %arg5[%mul3A_2, %dma_wait3A_240] : memref<320000x128xf32, #tpu.memory_space<hbm>> -> memref<80x128xf32, #tpu.memory_space<hbm>>
          %dma_wait3A_242 = arith.constant 0 : i32
          %dma_wait3A_243 = tpu.memref_slice %arg5[%mul3A_2, %dma_wait3A_242] : memref<320000x128xf32, #tpu.memory_space<hbm>> -> memref<80x128xf32, #tpu.memory_space<hbm>>
          tpu.wait_dma2 semaphore(%arg24 : memref<!tpu.dma_semaphore, #tpu.memory_space<semaphore_mem>>) src(%arg9 : memref<80x128xf32, #tpu.memory_space<vmem>>) dst(%dma_wait3A_243 : memref<80x128xf32, #tpu.memory_space<hbm>>)
        } else {
        }
        %add3A_228 = arith.constant 3 : i32
        %add3A_229 = arith.addi %add3A_159, %add3A_228 : i32
        %mul3A_230 = arith.constant 80 : i32
        %mul3A_231 = arith.muli %add3A_229, %mul3A_230 : i32
        %dma_start3A_232 = tpu.memref_slice %arg6[%mul3A_231] : memref<10000xi32, #tpu.memory_space<vmem>> -> memref<80xi32, #tpu.memory_space<vmem>>
        %dma_start3A_233 = arith.constant 0 : i32
        %dma_start3A_234 = arith.constant 0 : i32
        %dma_start3A_235 = tpu.memref_slice %arg2[%dma_start3A_233, %dma_start3A_234] : memref<10000x128xf32, #tpu.memory_space<hbm>> -> memref<10000x128xf32, #tpu.memory_space<hbm>>
        tpu.enqueue_indirect_dma source(%dma_start3A_235 : memref<10000x128xf32, #tpu.memory_space<hbm>>) target(%arg9 : memref<80x128xf32, #tpu.memory_space<vmem>>) offsets(%dma_start3A_232 : memref<80xi32, #tpu.memory_space<vmem>>) semaphore(%arg19 : memref<!tpu.dma_semaphore, #tpu.memory_space<semaphore_mem>>)
        %dma_start3A_236 = tpu.memref_slice %arg7[%mul3A_231] : memref<10000xi32, #tpu.memory_space<vmem>> -> memref<80xi32, #tpu.memory_space<vmem>>
        %dma_start3A_237 = arith.constant 0 : i32
        %dma_start3A_238 = arith.constant 0 : i32
        %dma_start3A_239 = tpu.memref_slice %arg2[%dma_start3A_237, %dma_start3A_238] : memref<10000x128xf32, #tpu.memory_space<hbm>> -> memref<10000x128xf32, #tpu.memory_space<hbm>>
        tpu.enqueue_indirect_dma source(%dma_start3A_239 : memref<10000x128xf32, #tpu.memory_space<hbm>>) target(%arg14 : memref<80x128xf32, #tpu.memory_space<vmem>>) offsets(%dma_start3A_236 : memref<80xi32, #tpu.memory_space<vmem>>) semaphore(%arg19 : memref<!tpu.dma_semaphore, #tpu.memory_space<semaphore_mem>>)
      } else {
      }
      %dma_wait3A_167 = arith.constant 0 : i32
      %dma_wait3A_168 = tpu.memref_slice %arg6[%dma_wait3A_167] : memref<10000xi32, #tpu.memory_space<vmem>> -> memref<80xi32, #tpu.memory_space<vmem>>
      %dma_wait3A_169 = arith.constant 0 : i32
      %dma_wait3A_170 = arith.constant 0 : i32
      %dma_wait3A_171 = tpu.memref_slice %arg2[%dma_wait3A_169, %dma_wait3A_170] : memref<10000x128xf32, #tpu.memory_space<hbm>> -> memref<10000x128xf32, #tpu.memory_space<hbm>>
      tpu.wait_indirect_dma semaphore(%arg21 : memref<!tpu.dma_semaphore, #tpu.memory_space<semaphore_mem>>) src(%dma_wait3A_171 : memref<10000x128xf32, #tpu.memory_space<hbm>>) dst(%arg11 : memref<80x128xf32, #tpu.memory_space<vmem>>)
      %dma_wait3A_172 = arith.constant 0 : i32
      %dma_wait3A_173 = tpu.memref_slice %arg7[%dma_wait3A_172] : memref<10000xi32, #tpu.memory_space<vmem>> -> memref<80xi32, #tpu.memory_space<vmem>>
      %dma_wait3A_174 = arith.constant 0 : i32
      %dma_wait3A_175 = arith.constant 0 : i32
      %dma_wait3A_176 = tpu.memref_slice %arg2[%dma_wait3A_174, %dma_wait3A_175] : memref<10000x128xf32, #tpu.memory_space<hbm>> -> memref<10000x128xf32, #tpu.memory_space<hbm>>
      tpu.wait_indirect_dma semaphore(%arg21 : memref<!tpu.dma_semaphore, #tpu.memory_space<semaphore_mem>>) src(%dma_wait3A_176 : memref<10000x128xf32, #tpu.memory_space<hbm>>) dst(%arg16 : memref<80x128xf32, #tpu.memory_space<vmem>>)
      %scan3A_177 = arith.constant 0 : i32
      %scan3A_178 = arith.constant 0 : i32
      %scan3A_179 = arith.constant 80 : i32
      %scan3A_180 = arith.addi %scan3A_178, %scan3A_179 : i32
      %scan3A_181 = arith.constant 1 : i32
      scf.for %scan3A_224 = %scan3A_178 to %scan3A_180 step %scan3A_181  : i32 {
        %get3A = arith.index_cast %scan3A_224 : i32 to index
        %get3A_225 = arith.constant 0 : index
        %get3A_226 = tpu.vector_load %arg11[%get3A, %get3A_225] {strides = array<i32>} : memref<80x128xf32, #tpu.memory_space<vmem>>, vector<1x16xf32>,
        %get3A_227 = vector.shape_cast %get3A_226 : vector<1x16xf32> to vector<16xf32>
        %get3A_228 = arith.index_cast %scan3A_224 : i32 to index
        %get3A_229 = arith.constant 0 : index
        %get3A_230 = tpu.vector_load %arg16[%get3A_228, %get3A_229] {strides = array<i32>} : memref<80x128xf32, #tpu.memory_space<vmem>>, vector<1x16xf32>,
        %get3A_231 = vector.shape_cast %get3A_230 : vector<1x16xf32> to vector<16xf32>
        %mul3A_232 = arith.mulf %get3A_227, %get3A_231 : vector<16xf32>
        %swap3A = arith.index_cast %scan3A_224 : i32 to index
        %swap3A_233 = arith.constant 0 : index
        %swap3A_234 = tpu.vector_load %arg11[%swap3A, %swap3A_233] {strides = array<i32>} : memref<80x128xf32, #tpu.memory_space<vmem>>, vector<1x16xf32>,
        %swap3A_235 = vector.shape_cast %swap3A_234 : vector<1x16xf32> to vector<16xf32>
        %swap3A_236 = vector.shape_cast %mul3A_232 : vector<16xf32> to vector<1x16xf32>
        tpu.vector_store %arg11[%swap3A, %swap3A_233], %swap3A_236 {strides = array<i32>} : memref<80x128xf32, #tpu.memory_space<vmem>>, vector<1x16xf32>,
        %get3A_237 = arith.index_cast %scan3A_224 : i32 to index
        %get3A_238 = arith.constant 16 : index
        %get3A_239 = tpu.vector_load %arg11[%get3A_237, %get3A_238] {strides = array<i32>} : memref<80x128xf32, #tpu.memory_space<vmem>>, vector<1x16xf32>,
        %get3A_240 = vector.shape_cast %get3A_239 : vector<1x16xf32> to vector<16xf32>
        %get3A_241 = arith.index_cast %scan3A_224 : i32 to index
        %get3A_242 = arith.constant 16 : index
        %get3A_243 = tpu.vector_load %arg16[%get3A_241, %get3A_242] {strides = array<i32>} : memref<80x128xf32, #tpu.memory_space<vmem>>, vector<1x16xf32>,
        %get3A_244 = vector.shape_cast %get3A_243 : vector<1x16xf32> to vector<16xf32>
        %mul3A_245 = arith.mulf %get3A_240, %get3A_244 : vector<16xf32>
        %swap3A_246 = arith.index_cast %scan3A_224 : i32 to index
        %swap3A_247 = arith.constant 16 : index
        %swap3A_248 = tpu.vector_load %arg11[%swap3A_246, %swap3A_247] {strides = array<i32>} : memref<80x128xf32, #tpu.memory_space<vmem>>, vector<1x16xf32>,
        %swap3A_249 = vector.shape_cast %swap3A_248 : vector<1x16xf32> to vector<16xf32>
        %swap3A_250 = vector.shape_cast %mul3A_245 : vector<16xf32> to vector<1x16xf32>
        tpu.vector_store %arg11[%swap3A_246, %swap3A_247], %swap3A_250 {strides = array<i32>} : memref<80x128xf32, #tpu.memory_space<vmem>>, vector<1x16xf32>,
        %get3A_251 = arith.index_cast %scan3A_224 : i32 to index
        %get3A_252 = arith.constant 32 : index
        %get3A_253 = tpu.vector_load %arg11[%get3A_251, %get3A_252] {strides = array<i32>} : memref<80x128xf32, #tpu.memory_space<vmem>>, vector<1x16xf32>,
        %get3A_254 = vector.shape_cast %get3A_253 : vector<1x16xf32> to vector<16xf32>
        %get3A_255 = arith.index_cast %scan3A_224 : i32 to index
        %get3A_256 = arith.constant 32 : index
        %get3A_257 = tpu.vector_load %arg16[%get3A_255, %get3A_256] {strides = array<i32>} : memref<80x128xf32, #tpu.memory_space<vmem>>, vector<1x16xf32>,
        %get3A_258 = vector.shape_cast %get3A_257 : vector<1x16xf32> to vector<16xf32>
        %mul3A_259 = arith.mulf %get3A_254, %get3A_258 : vector<16xf32>
        %swap3A_260 = arith.index_cast %scan3A_224 : i32 to index
        %swap3A_261 = arith.constant 32 : index
        %swap3A_262 = tpu.vector_load %arg11[%swap3A_260, %swap3A_261] {strides = array<i32>} : memref<80x128xf32, #tpu.memory_space<vmem>>, vector<1x16xf32>,
        %swap3A_263 = vector.shape_cast %swap3A_262 : vector<1x16xf32> to vector<16xf32>
        %swap3A_264 = vector.shape_cast %mul3A_259 : vector<16xf32> to vector<1x16xf32>
        tpu.vector_store %arg11[%swap3A_260, %swap3A_261], %swap3A_264 {strides = array<i32>} : memref<80x128xf32, #tpu.memory_space<vmem>>, vector<1x16xf32>,
        %get3A_265 = arith.index_cast %scan3A_224 : i32 to index
        %get3A_266 = arith.constant 48 : index
        %get3A_267 = tpu.vector_load %arg11[%get3A_265, %get3A_266] {strides = array<i32>} : memref<80x128xf32, #tpu.memory_space<vmem>>, vector<1x16xf32>,
        %get3A_268 = vector.shape_cast %get3A_267 : vector<1x16xf32> to vector<16xf32>
        %get3A_269 = arith.index_cast %scan3A_224 : i32 to index
        %get3A_270 = arith.constant 48 : index
        %get3A_271 = tpu.vector_load %arg16[%get3A_269, %get3A_270] {strides = array<i32>} : memref<80x128xf32, #tpu.memory_space<vmem>>, vector<1x16xf32>,
        %get3A_272 = vector.shape_cast %get3A_271 : vector<1x16xf32> to vector<16xf32>
        %mul3A_273 = arith.mulf %get3A_268, %get3A_272 : vector<16xf32>
        %swap3A_274 = arith.index_cast %scan3A_224 : i32 to index
        %swap3A_275 = arith.constant 48 : index
        %swap3A_276 = tpu.vector_load %arg11[%swap3A_274, %swap3A_275] {strides = array<i32>} : memref<80x128xf32, #tpu.memory_space<vmem>>, vector<1x16xf32>,
        %swap3A_277 = vector.shape_cast %swap3A_276 : vector<1x16xf32> to vector<16xf32>
        %swap3A_278 = vector.shape_cast %mul3A_273 : vector<16xf32> to vector<1x16xf32>
        tpu.vector_store %arg11[%swap3A_274, %swap3A_275], %swap3A_278 {strides = array<i32>} : memref<80x128xf32, #tpu.memory_space<vmem>>, vector<1x16xf32>,
        %get3A_279 = arith.index_cast %scan3A_224 : i32 to index
        %get3A_280 = arith.constant 64 : index
        %get3A_281 = tpu.vector_load %arg11[%get3A_279, %get3A_280] {strides = array<i32>} : memref<80x128xf32, #tpu.memory_space<vmem>>, vector<1x16xf32>,
        %get3A_282 = vector.shape_cast %get3A_281 : vector<1x16xf32> to vector<16xf32>
        %get3A_283 = arith.index_cast %scan3A_224 : i32 to index
        %get3A_284 = arith.constant 64 : index
        %get3A_285 = tpu.vector_load %arg16[%get3A_283, %get3A_284] {strides = array<i32>} : memref<80x128xf32, #tpu.memory_space<vmem>>, vector<1x16xf32>,
        %get3A_286 = vector.shape_cast %get3A_285 : vector<1x16xf32> to vector<16xf32>
        %mul3A_287 = arith.mulf %get3A_282, %get3A_286 : vector<16xf32>
        %swap3A_288 = arith.index_cast %scan3A_224 : i32 to index
        %swap3A_289 = arith.constant 64 : index
        %swap3A_290 = tpu.vector_load %arg11[%swap3A_288, %swap3A_289] {strides = array<i32>} : memref<80x128xf32, #tpu.memory_space<vmem>>, vector<1x16xf32>,
        %swap3A_291 = vector.shape_cast %swap3A_290 : vector<1x16xf32> to vector<16xf32>
        %swap3A_292 = vector.shape_cast %mul3A_287 : vector<16xf32> to vector<1x16xf32>
        tpu.vector_store %arg11[%swap3A_288, %swap3A_289], %swap3A_292 {strides = array<i32>} : memref<80x128xf32, #tpu.memory_space<vmem>>, vector<1x16xf32>,
        %get3A_293 = arith.index_cast %scan3A_224 : i32 to index
        %get3A_294 = arith.constant 80 : index
        %get3A_295 = tpu.vector_load %arg11[%get3A_293, %get3A_294] {strides = array<i32>} : memref<80x128xf32, #tpu.memory_space<vmem>>, vector<1x16xf32>,
        %get3A_296 = vector.shape_cast %get3A_295 : vector<1x16xf32> to vector<16xf32>
        %get3A_297 = arith.index_cast %scan3A_224 : i32 to index
        %get3A_298 = arith.constant 80 : index
        %get3A_299 = tpu.vector_load %arg16[%get3A_297, %get3A_298] {strides = array<i32>} : memref<80x128xf32, #tpu.memory_space<vmem>>, vector<1x16xf32>,
        %get3A_300 = vector.shape_cast %get3A_299 : vector<1x16xf32> to vector<16xf32>
        %mul3A_301 = arith.mulf %get3A_296, %get3A_300 : vector<16xf32>
        %swap3A_302 = arith.index_cast %scan3A_224 : i32 to index
        %swap3A_303 = arith.constant 80 : index
        %swap3A_304 = tpu.vector_load %arg11[%swap3A_302, %swap3A_303] {strides = array<i32>} : memref<80x128xf32, #tpu.memory_space<vmem>>, vector<1x16xf32>,
        %swap3A_305 = vector.shape_cast %swap3A_304 : vector<1x16xf32> to vector<16xf32>
        %swap3A_306 = vector.shape_cast %mul3A_301 : vector<16xf32> to vector<1x16xf32>
        tpu.vector_store %arg11[%swap3A_302, %swap3A_303], %swap3A_306 {strides = array<i32>} : memref<80x128xf32, #tpu.memory_space<vmem>>, vector<1x16xf32>,
        %get3A_307 = arith.index_cast %scan3A_224 : i32 to index
        %get3A_308 = arith.constant 96 : index
        %get3A_309 = tpu.vector_load %arg11[%get3A_307, %get3A_308] {strides = array<i32>} : memref<80x128xf32, #tpu.memory_space<vmem>>, vector<1x16xf32>,
        %get3A_310 = vector.shape_cast %get3A_309 : vector<1x16xf32> to vector<16xf32>
        %get3A_311 = arith.index_cast %scan3A_224 : i32 to index
        %get3A_312 = arith.constant 96 : index
        %get3A_313 = tpu.vector_load %arg16[%get3A_311, %get3A_312] {strides = array<i32>} : memref<80x128xf32, #tpu.memory_space<vmem>>, vector<1x16xf32>,
        %get3A_314 = vector.shape_cast %get3A_313 : vector<1x16xf32> to vector<16xf32>
        %mul3A_315 = arith.mulf %get3A_310, %get3A_314 : vector<16xf32>
        %swap3A_316 = arith.index_cast %scan3A_224 : i32 to index
        %swap3A_317 = arith.constant 96 : index
        %swap3A_318 = tpu.vector_load %arg11[%swap3A_316, %swap3A_317] {strides = array<i32>} : memref<80x128xf32, #tpu.memory_space<vmem>>, vector<1x16xf32>,
        %swap3A_319 = vector.shape_cast %swap3A_318 : vector<1x16xf32> to vector<16xf32>
        %swap3A_320 = vector.shape_cast %mul3A_315 : vector<16xf32> to vector<1x16xf32>
        tpu.vector_store %arg11[%swap3A_316, %swap3A_317], %swap3A_320 {strides = array<i32>} : memref<80x128xf32, #tpu.memory_space<vmem>>, vector<1x16xf32>,
        %get3A_321 = arith.index_cast %scan3A_224 : i32 to index
        %get3A_322 = arith.constant 112 : index
        %get3A_323 = tpu.vector_load %arg11[%get3A_321, %get3A_322] {strides = array<i32>} : memref<80x128xf32, #tpu.memory_space<vmem>>, vector<1x16xf32>,
        %get3A_324 = vector.shape_cast %get3A_323 : vector<1x16xf32> to vector<16xf32>
        %get3A_325 = arith.index_cast %scan3A_224 : i32 to index
        %get3A_326 = arith.constant 112 : index
        %get3A_327 = tpu.vector_load %arg16[%get3A_325, %get3A_326] {strides = array<i32>} : memref<80x128xf32, #tpu.memory_space<vmem>>, vector<1x16xf32>,
        %get3A_328 = vector.shape_cast %get3A_327 : vector<1x16xf32> to vector<16xf32>
        %mul3A_329 = arith.mulf %get3A_324, %get3A_328 : vector<16xf32>
        %swap3A_330 = arith.index_cast %scan3A_224 : i32 to index
        %swap3A_331 = arith.constant 112 : index
        %swap3A_332 = tpu.vector_load %arg11[%swap3A_330, %swap3A_331] {strides = array<i32>} : memref<80x128xf32, #tpu.memory_space<vmem>>, vector<1x16xf32>,
        %swap3A_333 = vector.shape_cast %swap3A_332 : vector<1x16xf32> to vector<16xf32>
        %swap3A_334 = vector.shape_cast %mul3A_329 : vector<16xf32> to vector<1x16xf32>
        tpu.vector_store %arg11[%swap3A_330, %swap3A_331], %swap3A_334 {strides = array<i32>} : memref<80x128xf32, #tpu.memory_space<vmem>>, vector<1x16xf32>,
      }
      %scan3A_182 = arith.constant 80 : i32
      %mul3A_183 = arith.constant 80 : i32
      %mul3A_184 = arith.muli %add3A_159, %mul3A_183 : i32
      %add3A_185 = arith.addi %mul3A_2, %mul3A_184 : i32
      %dma_start3A_186 = arith.constant 0 : i32
      %dma_start3A_187 = tpu.memref_slice %arg5[%add3A_185, %dma_start3A_186] : memref<320000x128xf32, #tpu.memory_space<hbm>> -> memref<80x128xf32, #tpu.memory_space<hbm>>
      %dma_start3A_188 = arith.constant 0 : i32
      %dma_start3A_189 = tpu.memref_slice %arg5[%add3A_185, %dma_start3A_188] : memref<320000x128xf32, #tpu.memory_space<hbm>> -> memref<80x128xf32, #tpu.memory_space<hbm>>
      tpu.enqueue_dma source(%arg11 : memref<80x128xf32, #tpu.memory_space<vmem>>) target(%dma_start3A_189 : memref<80x128xf32, #tpu.memory_space<hbm>>) target_semaphore(%arg26 : memref<!tpu.dma_semaphore, #tpu.memory_space<semaphore_mem>>)
      %mul3A_190 = arith.constant 5 : i32
      %mul3A_191 = arith.muli %mul3A_190, %scan3A_56 : i32
      %add3A_192 = arith.constant 4 : i32
      %add3A_193 = arith.addi %mul3A_191, %add3A_192 : i32
      %add3A_194 = arith.constant 3 : i32
      %add3A_195 = arith.addi %add3A_193, %add3A_194 : i32
      %lt3A_196 = arith.constant 125 : i32
      %lt3A_197 = arith.cmpi slt, %add3A_195, %lt3A_196 : i32
      %convert_element_type3A_198 = arith.extui %lt3A_197 : i1 to i32
      %cond3A_199 = arith.constant 0 : i32
      %cond3A_200 = arith.cmpi ne, %convert_element_type3A_198, %cond3A_199 : i32
      scf.if %cond3A_200 {
        %ge3A = arith.constant 2 : i32
        %ge3A_224 = arith.cmpi sge, %add3A_193, %ge3A : i32
        %convert_element_type3A_225 = arith.extui %ge3A_224 : i1 to i32
        %cond3A_226 = arith.constant 0 : i32
        %cond3A_227 = arith.cmpi ne, %convert_element_type3A_225, %cond3A_226 : i32
        scf.if %cond3A_227 {
          %dma_wait3A_240 = arith.constant 0 : i32
          %dma_wait3A_241 = tpu.memref_slice %arg5[%mul3A_2, %dma_wait3A_240] : memref<320000x128xf32, #tpu.memory_space<hbm>> -> memref<80x128xf32, #tpu.memory_space<hbm>>
          %dma_wait3A_242 = arith.constant 0 : i32
          %dma_wait3A_243 = tpu.memref_slice %arg5[%mul3A_2, %dma_wait3A_242] : memref<320000x128xf32, #tpu.memory_space<hbm>> -> memref<80x128xf32, #tpu.memory_space<hbm>>
          tpu.wait_dma2 semaphore(%arg25 : memref<!tpu.dma_semaphore, #tpu.memory_space<semaphore_mem>>) src(%arg10 : memref<80x128xf32, #tpu.memory_space<vmem>>) dst(%dma_wait3A_243 : memref<80x128xf32, #tpu.memory_space<hbm>>)
        } else {
        }
        %add3A_228 = arith.constant 3 : i32
        %add3A_229 = arith.addi %add3A_193, %add3A_228 : i32
        %mul3A_230 = arith.constant 80 : i32
        %mul3A_231 = arith.muli %add3A_229, %mul3A_230 : i32
        %dma_start3A_232 = tpu.memref_slice %arg6[%mul3A_231] : memref<10000xi32, #tpu.memory_space<vmem>> -> memref<80xi32, #tpu.memory_space<vmem>>
        %dma_start3A_233 = arith.constant 0 : i32
        %dma_start3A_234 = arith.constant 0 : i32
        %dma_start3A_235 = tpu.memref_slice %arg2[%dma_start3A_233, %dma_start3A_234] : memref<10000x128xf32, #tpu.memory_space<hbm>> -> memref<10000x128xf32, #tpu.memory_space<hbm>>
        tpu.enqueue_indirect_dma source(%dma_start3A_235 : memref<10000x128xf32, #tpu.memory_space<hbm>>) target(%arg10 : memref<80x128xf32, #tpu.memory_space<vmem>>) offsets(%dma_start3A_232 : memref<80xi32, #tpu.memory_space<vmem>>) semaphore(%arg20 : memref<!tpu.dma_semaphore, #tpu.memory_space<semaphore_mem>>)
        %dma_start3A_236 = tpu.memref_slice %arg7[%mul3A_231] : memref<10000xi32, #tpu.memory_space<vmem>> -> memref<80xi32, #tpu.memory_space<vmem>>
        %dma_start3A_237 = arith.constant 0 : i32
        %dma_start3A_238 = arith.constant 0 : i32
        %dma_start3A_239 = tpu.memref_slice %arg2[%dma_start3A_237, %dma_start3A_238] : memref<10000x128xf32, #tpu.memory_space<hbm>> -> memref<10000x128xf32, #tpu.memory_space<hbm>>
        tpu.enqueue_indirect_dma source(%dma_start3A_239 : memref<10000x128xf32, #tpu.memory_space<hbm>>) target(%arg15 : memref<80x128xf32, #tpu.memory_space<vmem>>) offsets(%dma_start3A_236 : memref<80xi32, #tpu.memory_space<vmem>>) semaphore(%arg20 : memref<!tpu.dma_semaphore, #tpu.memory_space<semaphore_mem>>)
      } else {
      }
      %dma_wait3A_201 = arith.constant 0 : i32
      %dma_wait3A_202 = tpu.memref_slice %arg6[%dma_wait3A_201] : memref<10000xi32, #tpu.memory_space<vmem>> -> memref<80xi32, #tpu.memory_space<vmem>>
      %dma_wait3A_203 = arith.constant 0 : i32
      %dma_wait3A_204 = arith.constant 0 : i32
      %dma_wait3A_205 = tpu.memref_slice %arg2[%dma_wait3A_203, %dma_wait3A_204] : memref<10000x128xf32, #tpu.memory_space<hbm>> -> memref<10000x128xf32, #tpu.memory_space<hbm>>
      tpu.wait_indirect_dma semaphore(%arg22 : memref<!tpu.dma_semaphore, #tpu.memory_space<semaphore_mem>>) src(%dma_wait3A_205 : memref<10000x128xf32, #tpu.memory_space<hbm>>) dst(%arg12 : memref<80x128xf32, #tpu.memory_space<vmem>>)
      %dma_wait3A_206 = arith.constant 0 : i32
      %dma_wait3A_207 = tpu.memref_slice %arg7[%dma_wait3A_206] : memref<10000xi32, #tpu.memory_space<vmem>> -> memref<80xi32, #tpu.memory_space<vmem>>
      %dma_wait3A_208 = arith.constant 0 : i32
      %dma_wait3A_209 = arith.constant 0 : i32
      %dma_wait3A_210 = tpu.memref_slice %arg2[%dma_wait3A_208, %dma_wait3A_209] : memref<10000x128xf32, #tpu.memory_space<hbm>> -> memref<10000x128xf32, #tpu.memory_space<hbm>>
      tpu.wait_indirect_dma semaphore(%arg22 : memref<!tpu.dma_semaphore, #tpu.memory_space<semaphore_mem>>) src(%dma_wait3A_210 : memref<10000x128xf32, #tpu.memory_space<hbm>>) dst(%arg17 : memref<80x128xf32, #tpu.memory_space<vmem>>)
      %scan3A_211 = arith.constant 0 : i32
      %scan3A_212 = arith.constant 0 : i32
      %scan3A_213 = arith.constant 80 : i32
      %scan3A_214 = arith.addi %scan3A_212, %scan3A_213 : i32
      %scan3A_215 = arith.constant 1 : i32
      scf.for %scan3A_224 = %scan3A_212 to %scan3A_214 step %scan3A_215  : i32 {
        %get3A = arith.index_cast %scan3A_224 : i32 to index
        %get3A_225 = arith.constant 0 : index
        %get3A_226 = tpu.vector_load %arg12[%get3A, %get3A_225] {strides = array<i32>} : memref<80x128xf32, #tpu.memory_space<vmem>>, vector<1x16xf32>,
        %get3A_227 = vector.shape_cast %get3A_226 : vector<1x16xf32> to vector<16xf32>
        %get3A_228 = arith.index_cast %scan3A_224 : i32 to index
        %get3A_229 = arith.constant 0 : index
        %get3A_230 = tpu.vector_load %arg17[%get3A_228, %get3A_229] {strides = array<i32>} : memref<80x128xf32, #tpu.memory_space<vmem>>, vector<1x16xf32>,
        %get3A_231 = vector.shape_cast %get3A_230 : vector<1x16xf32> to vector<16xf32>
        %mul3A_232 = arith.mulf %get3A_227, %get3A_231 : vector<16xf32>
        %swap3A = arith.index_cast %scan3A_224 : i32 to index
        %swap3A_233 = arith.constant 0 : index
        %swap3A_234 = tpu.vector_load %arg12[%swap3A, %swap3A_233] {strides = array<i32>} : memref<80x128xf32, #tpu.memory_space<vmem>>, vector<1x16xf32>,
        %swap3A_235 = vector.shape_cast %swap3A_234 : vector<1x16xf32> to vector<16xf32>
        %swap3A_236 = vector.shape_cast %mul3A_232 : vector<16xf32> to vector<1x16xf32>
        tpu.vector_store %arg12[%swap3A, %swap3A_233], %swap3A_236 {strides = array<i32>} : memref<80x128xf32, #tpu.memory_space<vmem>>, vector<1x16xf32>,
        %get3A_237 = arith.index_cast %scan3A_224 : i32 to index
        %get3A_238 = arith.constant 16 : index
        %get3A_239 = tpu.vector_load %arg12[%get3A_237, %get3A_238] {strides = array<i32>} : memref<80x128xf32, #tpu.memory_space<vmem>>, vector<1x16xf32>,
        %get3A_240 = vector.shape_cast %get3A_239 : vector<1x16xf32> to vector<16xf32>
        %get3A_241 = arith.index_cast %scan3A_224 : i32 to index
        %get3A_242 = arith.constant 16 : index
        %get3A_243 = tpu.vector_load %arg17[%get3A_241, %get3A_242] {strides = array<i32>} : memref<80x128xf32, #tpu.memory_space<vmem>>, vector<1x16xf32>,
        %get3A_244 = vector.shape_cast %get3A_243 : vector<1x16xf32> to vector<16xf32>
        %mul3A_245 = arith.mulf %get3A_240, %get3A_244 : vector<16xf32>
        %swap3A_246 = arith.index_cast %scan3A_224 : i32 to index
        %swap3A_247 = arith.constant 16 : index
        %swap3A_248 = tpu.vector_load %arg12[%swap3A_246, %swap3A_247] {strides = array<i32>} : memref<80x128xf32, #tpu.memory_space<vmem>>, vector<1x16xf32>,
        %swap3A_249 = vector.shape_cast %swap3A_248 : vector<1x16xf32> to vector<16xf32>
        %swap3A_250 = vector.shape_cast %mul3A_245 : vector<16xf32> to vector<1x16xf32>
        tpu.vector_store %arg12[%swap3A_246, %swap3A_247], %swap3A_250 {strides = array<i32>} : memref<80x128xf32, #tpu.memory_space<vmem>>, vector<1x16xf32>,
        %get3A_251 = arith.index_cast %scan3A_224 : i32 to index
        %get3A_252 = arith.constant 32 : index
        %get3A_253 = tpu.vector_load %arg12[%get3A_251, %get3A_252] {strides = array<i32>} : memref<80x128xf32, #tpu.memory_space<vmem>>, vector<1x16xf32>,
        %get3A_254 = vector.shape_cast %get3A_253 : vector<1x16xf32> to vector<16xf32>
        %get3A_255 = arith.index_cast %scan3A_224 : i32 to index
        %get3A_256 = arith.constant 32 : index
        %get3A_257 = tpu.vector_load %arg17[%get3A_255, %get3A_256] {strides = array<i32>} : memref<80x128xf32, #tpu.memory_space<vmem>>, vector<1x16xf32>,
        %get3A_258 = vector.shape_cast %get3A_257 : vector<1x16xf32> to vector<16xf32>
        %mul3A_259 = arith.mulf %get3A_254, %get3A_258 : vector<16xf32>
        %swap3A_260 = arith.index_cast %scan3A_224 : i32 to index
        %swap3A_261 = arith.constant 32 : index
        %swap3A_262 = tpu.vector_load %arg12[%swap3A_260, %swap3A_261] {strides = array<i32>} : memref<80x128xf32, #tpu.memory_space<vmem>>, vector<1x16xf32>,
        %swap3A_263 = vector.shape_cast %swap3A_262 : vector<1x16xf32> to vector<16xf32>
        %swap3A_264 = vector.shape_cast %mul3A_259 : vector<16xf32> to vector<1x16xf32>
        tpu.vector_store %arg12[%swap3A_260, %swap3A_261], %swap3A_264 {strides = array<i32>} : memref<80x128xf32, #tpu.memory_space<vmem>>, vector<1x16xf32>,
        %get3A_265 = arith.index_cast %scan3A_224 : i32 to index
        %get3A_266 = arith.constant 48 : index
        %get3A_267 = tpu.vector_load %arg12[%get3A_265, %get3A_266] {strides = array<i32>} : memref<80x128xf32, #tpu.memory_space<vmem>>, vector<1x16xf32>,
        %get3A_268 = vector.shape_cast %get3A_267 : vector<1x16xf32> to vector<16xf32>
        %get3A_269 = arith.index_cast %scan3A_224 : i32 to index
        %get3A_270 = arith.constant 48 : index
        %get3A_271 = tpu.vector_load %arg17[%get3A_269, %get3A_270] {strides = array<i32>} : memref<80x128xf32, #tpu.memory_space<vmem>>, vector<1x16xf32>,
        %get3A_272 = vector.shape_cast %get3A_271 : vector<1x16xf32> to vector<16xf32>
        %mul3A_273 = arith.mulf %get3A_268, %get3A_272 : vector<16xf32>
        %swap3A_274 = arith.index_cast %scan3A_224 : i32 to index
        %swap3A_275 = arith.constant 48 : index
        %swap3A_276 = tpu.vector_load %arg12[%swap3A_274, %swap3A_275] {strides = array<i32>} : memref<80x128xf32, #tpu.memory_space<vmem>>, vector<1x16xf32>,
        %swap3A_277 = vector.shape_cast %swap3A_276 : vector<1x16xf32> to vector<16xf32>
        %swap3A_278 = vector.shape_cast %mul3A_273 : vector<16xf32> to vector<1x16xf32>
        tpu.vector_store %arg12[%swap3A_274, %swap3A_275], %swap3A_278 {strides = array<i32>} : memref<80x128xf32, #tpu.memory_space<vmem>>, vector<1x16xf32>,
        %get3A_279 = arith.index_cast %scan3A_224 : i32 to index
        %get3A_280 = arith.constant 64 : index
        %get3A_281 = tpu.vector_load %arg12[%get3A_279, %get3A_280] {strides = array<i32>} : memref<80x128xf32, #tpu.memory_space<vmem>>, vector<1x16xf32>,
        %get3A_282 = vector.shape_cast %get3A_281 : vector<1x16xf32> to vector<16xf32>
        %get3A_283 = arith.index_cast %scan3A_224 : i32 to index
        %get3A_284 = arith.constant 64 : index
        %get3A_285 = tpu.vector_load %arg17[%get3A_283, %get3A_284] {strides = array<i32>} : memref<80x128xf32, #tpu.memory_space<vmem>>, vector<1x16xf32>,
        %get3A_286 = vector.shape_cast %get3A_285 : vector<1x16xf32> to vector<16xf32>
        %mul3A_287 = arith.mulf %get3A_282, %get3A_286 : vector<16xf32>
        %swap3A_288 = arith.index_cast %scan3A_224 : i32 to index
        %swap3A_289 = arith.constant 64 : index
        %swap3A_290 = tpu.vector_load %arg12[%swap3A_288, %swap3A_289] {strides = array<i32>} : memref<80x128xf32, #tpu.memory_space<vmem>>, vector<1x16xf32>,
        %swap3A_291 = vector.shape_cast %swap3A_290 : vector<1x16xf32> to vector<16xf32>
        %swap3A_292 = vector.shape_cast %mul3A_287 : vector<16xf32> to vector<1x16xf32>
        tpu.vector_store %arg12[%swap3A_288, %swap3A_289], %swap3A_292 {strides = array<i32>} : memref<80x128xf32, #tpu.memory_space<vmem>>, vector<1x16xf32>,
        %get3A_293 = arith.index_cast %scan3A_224 : i32 to index
        %get3A_294 = arith.constant 80 : index
        %get3A_295 = tpu.vector_load %arg12[%get3A_293, %get3A_294] {strides = array<i32>} : memref<80x128xf32, #tpu.memory_space<vmem>>, vector<1x16xf32>,
        %get3A_296 = vector.shape_cast %get3A_295 : vector<1x16xf32> to vector<16xf32>
        %get3A_297 = arith.index_cast %scan3A_224 : i32 to index
        %get3A_298 = arith.constant 80 : index
        %get3A_299 = tpu.vector_load %arg17[%get3A_297, %get3A_298] {strides = array<i32>} : memref<80x128xf32, #tpu.memory_space<vmem>>, vector<1x16xf32>,
        %get3A_300 = vector.shape_cast %get3A_299 : vector<1x16xf32> to vector<16xf32>
        %mul3A_301 = arith.mulf %get3A_296, %get3A_300 : vector<16xf32>
        %swap3A_302 = arith.index_cast %scan3A_224 : i32 to index
        %swap3A_303 = arith.constant 80 : index
        %swap3A_304 = tpu.vector_load %arg12[%swap3A_302, %swap3A_303] {strides = array<i32>} : memref<80x128xf32, #tpu.memory_space<vmem>>, vector<1x16xf32>,
        %swap3A_305 = vector.shape_cast %swap3A_304 : vector<1x16xf32> to vector<16xf32>
        %swap3A_306 = vector.shape_cast %mul3A_301 : vector<16xf32> to vector<1x16xf32>
        tpu.vector_store %arg12[%swap3A_302, %swap3A_303], %swap3A_306 {strides = array<i32>} : memref<80x128xf32, #tpu.memory_space<vmem>>, vector<1x16xf32>,
        %get3A_307 = arith.index_cast %scan3A_224 : i32 to index
        %get3A_308 = arith.constant 96 : index
        %get3A_309 = tpu.vector_load %arg12[%get3A_307, %get3A_308] {strides = array<i32>} : memref<80x128xf32, #tpu.memory_space<vmem>>, vector<1x16xf32>,
        %get3A_310 = vector.shape_cast %get3A_309 : vector<1x16xf32> to vector<16xf32>
        %get3A_311 = arith.index_cast %scan3A_224 : i32 to index
        %get3A_312 = arith.constant 96 : index
        %get3A_313 = tpu.vector_load %arg17[%get3A_311, %get3A_312] {strides = array<i32>} : memref<80x128xf32, #tpu.memory_space<vmem>>, vector<1x16xf32>,
        %get3A_314 = vector.shape_cast %get3A_313 : vector<1x16xf32> to vector<16xf32>
        %mul3A_315 = arith.mulf %get3A_310, %get3A_314 : vector<16xf32>
        %swap3A_316 = arith.index_cast %scan3A_224 : i32 to index
        %swap3A_317 = arith.constant 96 : index
        %swap3A_318 = tpu.vector_load %arg12[%swap3A_316, %swap3A_317] {strides = array<i32>} : memref<80x128xf32, #tpu.memory_space<vmem>>, vector<1x16xf32>,
        %swap3A_319 = vector.shape_cast %swap3A_318 : vector<1x16xf32> to vector<16xf32>
        %swap3A_320 = vector.shape_cast %mul3A_315 : vector<16xf32> to vector<1x16xf32>
        tpu.vector_store %arg12[%swap3A_316, %swap3A_317], %swap3A_320 {strides = array<i32>} : memref<80x128xf32, #tpu.memory_space<vmem>>, vector<1x16xf32>,
        %get3A_321 = arith.index_cast %scan3A_224 : i32 to index
        %get3A_322 = arith.constant 112 : index
        %get3A_323 = tpu.vector_load %arg12[%get3A_321, %get3A_322] {strides = array<i32>} : memref<80x128xf32, #tpu.memory_space<vmem>>, vector<1x16xf32>,
        %get3A_324 = vector.shape_cast %get3A_323 : vector<1x16xf32> to vector<16xf32>
        %get3A_325 = arith.index_cast %scan3A_224 : i32 to index
        %get3A_326 = arith.constant 112 : index
        %get3A_327 = tpu.vector_load %arg17[%get3A_325, %get3A_326] {strides = array<i32>} : memref<80x128xf32, #tpu.memory_space<vmem>>, vector<1x16xf32>,
        %get3A_328 = vector.shape_cast %get3A_327 : vector<1x16xf32> to vector<16xf32>
        %mul3A_329 = arith.mulf %get3A_324, %get3A_328 : vector<16xf32>
        %swap3A_330 = arith.index_cast %scan3A_224 : i32 to index
        %swap3A_331 = arith.constant 112 : index
        %swap3A_332 = tpu.vector_load %arg12[%swap3A_330, %swap3A_331] {strides = array<i32>} : memref<80x128xf32, #tpu.memory_space<vmem>>, vector<1x16xf32>,
        %swap3A_333 = vector.shape_cast %swap3A_332 : vector<1x16xf32> to vector<16xf32>
        %swap3A_334 = vector.shape_cast %mul3A_329 : vector<16xf32> to vector<1x16xf32>
        tpu.vector_store %arg12[%swap3A_330, %swap3A_331], %swap3A_334 {strides = array<i32>} : memref<80x128xf32, #tpu.memory_space<vmem>>, vector<1x16xf32>,
      }
      %scan3A_216 = arith.constant 80 : i32
      %mul3A_217 = arith.constant 80 : i32
      %mul3A_218 = arith.muli %add3A_193, %mul3A_217 : i32
      %add3A_219 = arith.addi %mul3A_2, %mul3A_218 : i32
      %dma_start3A_220 = arith.constant 0 : i32
      %dma_start3A_221 = tpu.memref_slice %arg5[%add3A_219, %dma_start3A_220] : memref<320000x128xf32, #tpu.memory_space<hbm>> -> memref<80x128xf32, #tpu.memory_space<hbm>>
      %dma_start3A_222 = arith.constant 0 : i32
      %dma_start3A_223 = tpu.memref_slice %arg5[%add3A_219, %dma_start3A_222] : memref<320000x128xf32, #tpu.memory_space<hbm>> -> memref<80x128xf32, #tpu.memory_space<hbm>>
      tpu.enqueue_dma source(%arg12 : memref<80x128xf32, #tpu.memory_space<vmem>>) target(%dma_start3A_223 : memref<80x128xf32, #tpu.memory_space<hbm>>) target_semaphore(%arg27 : memref<!tpu.dma_semaphore, #tpu.memory_space<semaphore_mem>>)
    }
    %scan3A_36 = arith.constant 25 : i32
    %dma_wait3A = arith.constant 0 : i32
    %dma_wait3A_37 = tpu.memref_slice %arg5[%mul3A_2, %dma_wait3A] : memref<320000x128xf32, #tpu.memory_space<hbm>> -> memref<80x128xf32, #tpu.memory_space<hbm>>
    %dma_wait3A_38 = arith.constant 0 : i32
    %dma_wait3A_39 = tpu.memref_slice %arg5[%mul3A_2, %dma_wait3A_38] : memref<320000x128xf32, #tpu.memory_space<hbm>> -> memref<80x128xf32, #tpu.memory_space<hbm>>
    tpu.wait_dma2 semaphore(%arg23 : memref<!tpu.dma_semaphore, #tpu.memory_space<semaphore_mem>>) src(%arg8 : memref<80x128xf32, #tpu.memory_space<vmem>>) dst(%dma_wait3A_39 : memref<80x128xf32, #tpu.memory_space<hbm>>)
    %dma_wait3A_40 = arith.constant 0 : i32
    %dma_wait3A_41 = tpu.memref_slice %arg5[%mul3A_2, %dma_wait3A_40] : memref<320000x128xf32, #tpu.memory_space<hbm>> -> memref<80x128xf32, #tpu.memory_space<hbm>>
    %dma_wait3A_42 = arith.constant 0 : i32
    %dma_wait3A_43 = tpu.memref_slice %arg5[%mul3A_2, %dma_wait3A_42] : memref<320000x128xf32, #tpu.memory_space<hbm>> -> memref<80x128xf32, #tpu.memory_space<hbm>>
    tpu.wait_dma2 semaphore(%arg24 : memref<!tpu.dma_semaphore, #tpu.memory_space<semaphore_mem>>) src(%arg9 : memref<80x128xf32, #tpu.memory_space<vmem>>) dst(%dma_wait3A_43 : memref<80x128xf32, #tpu.memory_space<hbm>>)
    %dma_wait3A_44 = arith.constant 0 : i32
    %dma_wait3A_45 = tpu.memref_slice %arg5[%mul3A_2, %dma_wait3A_44] : memref<320000x128xf32, #tpu.memory_space<hbm>> -> memref<80x128xf32, #tpu.memory_space<hbm>>
    %dma_wait3A_46 = arith.constant 0 : i32
    %dma_wait3A_47 = tpu.memref_slice %arg5[%mul3A_2, %dma_wait3A_46] : memref<320000x128xf32, #tpu.memory_space<hbm>> -> memref<80x128xf32, #tpu.memory_space<hbm>>
    tpu.wait_dma2 semaphore(%arg25 : memref<!tpu.dma_semaphore, #tpu.memory_space<semaphore_mem>>) src(%arg10 : memref<80x128xf32, #tpu.memory_space<vmem>>) dst(%dma_wait3A_47 : memref<80x128xf32, #tpu.memory_space<hbm>>)
    %dma_wait3A_48 = arith.constant 0 : i32
    %dma_wait3A_49 = tpu.memref_slice %arg5[%mul3A_2, %dma_wait3A_48] : memref<320000x128xf32, #tpu.memory_space<hbm>> -> memref<80x128xf32, #tpu.memory_space<hbm>>
    %dma_wait3A_50 = arith.constant 0 : i32
    %dma_wait3A_51 = tpu.memref_slice %arg5[%mul3A_2, %dma_wait3A_50] : memref<320000x128xf32, #tpu.memory_space<hbm>> -> memref<80x128xf32, #tpu.memory_space<hbm>>
    tpu.wait_dma2 semaphore(%arg26 : memref<!tpu.dma_semaphore, #tpu.memory_space<semaphore_mem>>) src(%arg11 : memref<80x128xf32, #tpu.memory_space<vmem>>) dst(%dma_wait3A_51 : memref<80x128xf32, #tpu.memory_space<hbm>>)
    %dma_wait3A_52 = arith.constant 0 : i32
    %dma_wait3A_53 = tpu.memref_slice %arg5[%mul3A_2, %dma_wait3A_52] : memref<320000x128xf32, #tpu.memory_space<hbm>> -> memref<80x128xf32, #tpu.memory_space<hbm>>
    %dma_wait3A_54 = arith.constant 0 : i32
    %dma_wait3A_55 = tpu.memref_slice %arg5[%mul3A_2, %dma_wait3A_54] : memref<320000x128xf32, #tpu.memory_space<hbm>> -> memref<80x128xf32, #tpu.memory_space<hbm>>
    tpu.wait_dma2 semaphore(%arg27 : memref<!tpu.dma_semaphore, #tpu.memory_space<semaphore_mem>>) src(%arg12 : memref<80x128xf32, #tpu.memory_space<vmem>>) dst(%dma_wait3A_55 : memref<80x128xf32, #tpu.memory_space<hbm>>)
    return
  }
}

</mosaic_0001>

<sc_bundles>
// kernel: kernel.3.cloned.1.call-start
scs
__scs_entry_jumppad:
0x0: {  	(pc) =	sbr.rel $0x88, $3  }
0x1: {  	(tag) =	ssettag $0x0;
	lr =	simm.s32 $0x1  }
0x2: {  	[smem:$0x3F9F] =	sst lr;
	_ =	strace $0xD0000000  }
0x3: {  	_ = 	snop  }
0x4: {  	_ = 	snop  }
0x5: {  	_ = 	snop  }
0x6: {  	_ = 	snop  }
0x7: {  	_ = 	snop  }
__scs_overlays_trampoline_lowered:
0x8: {  	[smem:$0x3FAE] =	sst s0  }
0x9: {  	[smem:$0x3FAF] =	sst s1  }
0xa: {  	[smem:$0x3FB0] =	sst s2  }
0xb: {  	[smem:$0x3FB1] =	sst s3  }
0xc: {  	[smem:$0x3FB2] =	sst s4  }
0xd: {  	[smem:$0x3FB3] =	sst s5  }
0xe: {  	[smem:$0x3FB4] =	sst s6  }
0xf: {  	[smem:$0x3FB5] =	sst s7  }
0x10: {  	[smem:$0x3FB6] =	sst s8  }
0x11: {  	[smem:$0x3FB7] =	sst s9;
	s0 =	simm.s32 @!p0 $0x0  }
0x12: {  	s1 =	sld [smem:$0x3F9D];
	s0 =	simm.s32 @p0 $0x1  }
0x13: {  	[smem:$0x3FB8] =	sst s0;
	s0 =	simm.s32 @!p1 $0x0  }
0x14: {  	s2 =	sld [smem:$0x3F9C];
	s0 =	simm.s32 @p1 $0x1  }
0x15: {  	[smem:$0x3FB9] =	sst s0;
	s0 =	simm.s32 @!p2 $0x0  }
0x16: {  	s3 =	sld [smem:$0x3FDB];
	s0 =	simm.s32 @p2 $0x1  }
0x17: {  	s4 =	simm.s32 $0x1BF5;
	[smem:$0x3FBB] =	sst s0  }
0x18: {  	s0 =	sld [smem:$0x3F9E];
	_ =	swait.ge [sflag:s4], $0x0  }
0x19: {  	s7 =	sld [smem:$0x3F9F]  }
0x1a: {  	s8 =	sadd.s32 $0xFFFFE003, lr  }
0x1b: {  	s9 =	sadd.s32 $0xFFFFFEF7, lr;
	s5 =	simm.s32 $0xFFFFFFFF;
	p2 =	slt.u32 s8, $0xFFFFF086  }
0x1c: {  	p1 =	slt.u32 s9, $0xF7A;
	s5 =	simm.s32 @!p2 $0x0  }
0x1d: {  	s5 =	simm.s32 @p1 $0x1;
	p0 =	seq.s32 s7, s2  }
0x1e: {  	s7 =	smul.u32 @!p0 $0xF7A, s2;
	p2 =	seq.s32 @!p0 s5, $0x0  }
0x1f: {  	s9 =	smul.u32 $0xF7A, s1;
	s8 =	simm.s32 @!p0 $0x1BF5;
	p2 =	por !p2, p0  }
0x20: {  	[sflag:s8] =	ssyncset.s32 @!p0 $0xFFFFF086;
	s6 =	sadd.s32 @!p0 s3, s7;
	s7 =	simm.s32 @!p0 $0x108  }
0x21: {  	s3 =	sadd.s32 s3, s9;
	s6 =	sadd.s32 @!p0 $0x88, s6;
	s7 =	simm.s32 @p2 $0x1082  }
0x22: {  	[simem:s7], [sflag:s8] =	dma.local @!p0 [hbm:s6], $0xF7A  }
0x23: {  	s9 =	sor.u32 $0xD0000000, s2;
	s6 =	simm.s32 $0x108;
	_ =	swait.ge @!p0 [sflag:s8], $0x0  }
0x24: {  	s3 =	sadd.s32 $0x88, s3;
	s6 =	simm.s32 @!p1 $0x1082;
	[sflag:s4] =	ssyncset.s32 $0xFFFFF086  }
0x25: {  	[simem:s6], [sflag:s4] =	dma.local [hbm:s3], $0xF7A  }
0x26: {  	[smem:$0x3F9F] =	sst s1;
	(tag) =	ssettag s2;
	_ =	strace s9  }
0x27: {  	s1 =	sld [smem:$0x3FAF]  }
0x28: {  	s2 =	sld [smem:$0x3FB0]  }
0x29: {  	s4 =	sld [smem:$0x3FB2]  }
0x2a: {  	p0 =	seq.s32 s5, $0x0;
	s5 =	sld [smem:$0x3FB3]  }
0x2b: {  	s6 =	sld [smem:$0x3FB4]  }
0x2c: {  	s7 =	sld [smem:$0x3FB5]  }
0x2d: {  	s3 =	simm.s32 $0x108;
	s8 =	sld [smem:$0x3FB6]  }
0x2e: {  	s3 =	simm.s32 @!p0 $0x1082;
	s9 =	sld [smem:$0x3FB7]  }
0x2f: {  	lr =	sadd.s32 s0, s3;
	s0 =	sld [smem:$0x3FAE]  }
0x30: {  	s3 =	sld [smem:$0x3FB1]  }
0x31: {  	[smem:$0x3FBA] =	sst s10  }
0x32: {  	s10 =	sld [smem:$0x3FB8];
	_ =	sdelay $0x3  }
0x33: {  	p0 =	seq.s32 s10, $0x1;
	s10 =	sld [smem:$0x3FBA];
	_ =	sdelay $0x3  }
0x34: {  	[smem:$0x3FBA] =	sst s10  }
0x35: {  	s10 =	sld [smem:$0x3FB9];
	_ =	sdelay $0x3  }
0x36: {  	p1 =	seq.s32 s10, $0x1;
	s10 =	sld [smem:$0x3FBA];
	_ =	sdelay $0x3  }
0x37: {  	[smem:$0x3FBA] =	sst s10  }
0x38: {  	s10 =	sld [smem:$0x3FBB]  }
0x39: {  	_ = 	snop;
	(pc) =	sbr.ind lr, $3  }
0x3a: {  	_ = 	snop  }
0x3b: {  	_ = 	snop  }
0x3c: {  	p2 =	seq.s32 s10, $0x1;
	s10 =	sld [smem:$0x3FBA]  }
0x3d: {  	_ =	shalt  }
0x3e: {  	_ =	shalt  }
0x3f: {  	_ =	shalt  }
0x40: {  	_ =	shalt  }
0x41: {  	_ =	shalt  }
0x42: {  	_ =	shalt  }
0x43: {  	_ =	shalt  }
0x44: {  	_ =	shalt  }
0x45: {  	_ =	shalt  }
0x46: {  	_ =	shalt  }
0x47: {  	_ =	shalt  }
0x48: {  	_ =	shalt  }
0x49: {  	_ =	shalt  }
0x4a: {  	_ =	shalt  }
0x4b: {  	_ =	shalt  }
0x4c: {  	_ =	shalt  }
0x4d: {  	_ =	shalt  }
0x4e: {  	_ =	shalt  }
0x4f: {  	_ =	shalt  }
0x50: {  	_ =	shalt  }
0x51: {  	_ =	shalt  }
0x52: {  	_ =	shalt  }
0x53: {  	_ =	shalt  }
0x54: {  	_ =	shalt  }
0x55: {  	_ =	shalt  }
0x56: {  	_ =	shalt  }
0x57: {  	_ =	shalt  }
0x58: {  	_ =	shalt  }
0x59: {  	_ =	shalt  }
0x5a: {  	_ =	shalt  }
0x5b: {  	_ =	shalt  }
0x5c: {  	_ =	shalt  }
0x5d: {  	_ =	shalt  }
0x5e: {  	_ =	shalt  }
0x5f: {  	_ =	shalt  }
0x60: {  	_ =	shalt  }
0x61: {  	_ =	shalt  }
0x62: {  	_ =	shalt  }
0x63: {  	_ =	shalt  }
0x64: {  	_ =	shalt  }
0x65: {  	_ =	shalt  }
0x66: {  	_ =	shalt  }
0x67: {  	_ =	shalt  }
0x68: {  	_ =	shalt  }
0x69: {  	_ =	shalt  }
0x6a: {  	_ =	shalt  }
0x6b: {  	_ =	shalt  }
0x6c: {  	_ =	shalt  }
0x6d: {  	_ =	shalt  }
0x6e: {  	_ =	shalt  }
0x6f: {  	_ =	shalt  }
0x70: {  	_ =	shalt  }
0x71: {  	_ =	shalt  }
0x72: {  	_ =	shalt  }
0x73: {  	_ =	shalt  }
0x74: {  	_ =	shalt  }
0x75: {  	_ =	shalt  }
0x76: {  	_ =	shalt  }
0x77: {  	_ =	shalt  }
0x78: {  	_ =	shalt  }
0x79: {  	_ =	shalt  }
0x7a: {  	_ =	shalt  }
0x7b: {  	_ =	shalt  }
0x7c: {  	_ =	shalt  }
0x7d: {  	_ =	shalt  }
0x7e: {  	_ =	shalt  }
0x7f: {  	_ =	shalt  }
0x80: {  	_ =	shalt  }
0x81: {  	_ =	shalt  }
0x82: {  	_ =	shalt  }
0x83: {  	_ =	shalt  }
0x84: {  	_ =	shalt  }
0x85: {  	_ =	shalt  }
0x86: {  	_ =	shalt  }
0x87: {  	_ =	shalt  }
.Lfunc_end0:
.L_simem_size_0:
called_computation_lowered:
.L_overlay_start_0:
0x88: {  	s2 =	sld [smem:$0x3FD9]  }
0x89: {  	s3 =	sld [smem:$0x3FFE];
	_ =	sdelay $0x1  }
0x8a: {  	s1 =	srdreg.scid  }
0x8b: {  	s0 =	sand.u32 $0x1, s1  }
0x8c: {  	s17 =	sshll.u32 s0, $0xA;
	s2 =	sadd.s32 s3, s2  }
0x8d: {  	s2 =	sadd.s32 s2, s17  }
0x8e: {  	[smem:$0x3FC6] =	sst s2  }
0x8f: {  	_ = 	snop  }
0x90: {  	s2 =	sld [smem:$0x3FC9]  }
0x91: {  	s18 =	sld [smem:$0x3FD0];
	(tm) =	ssettm $0x1  }
0x92: {  	s4 =	sld [smem:$0x3FFB];
	_ =	sdelay $0x3  }
0x93: {  	_ =	strace s4  }
0x94: {  	s4 =	sld [smem:$0x3FFC];
	_ =	sdelay $0x3  }
0x95: {  	_ =	strace s4  }
0x96: {  	s4 =	sld [smem:$0x3FFD];
	_ =	sdelay $0x3  }
0x97: {  	_ =	strace s4  }
0x98: {  	_ =	strace $0x8FFFFFFF  }
0x99: {  	s19 =	sld [smem:$0x3FDB];
	_ =	sdelay $0x1  }
0x9a: {  	s5 =	simm.s32 $_scs_section_size  }
0x9b: {  	s6 =	simm.s32 $_size__tile_overlayer_lowered;
	s7 =	simm.s32 $_tile_overlayer_lowered  }
0x9c: {  	s22 =	simm.s32 $0x1BFF;
	s21 =	sshll.u32 s7, $0x1;
	s4 =	sadd.s32 s5, s19  }
0x9d: {  	s8 =	simm.s32 $0x0;
	s20 =	sshll.u32 s6, $0x1;
	s6 =	sadd.s32 s21, s4  }
0x9e: {  	[timem:s8], [sflag:s22] =	dma.local [hbm:s6], s20  }
0x9f: {  	_ =	swait.ge [sflag:s22], s20  }
0xa0: {  	s5 =	ssub.s32 $0x0, s20;
	[sflag:s22] =	ssyncset.done $0x0  }
0xa1: {  	[sflag:s22] =	ssyncadd.s32 s5;
	_ =	sdelay $0x1  }
0xa2: {  	s23 =	simm.s32 $0x1B8B  }
0xa3: {  	_ =	swait.ge [sflag:s23], $0x1  }
0xa4: {  	[sflag:s23] =	ssyncset.done $0x0  }
0xa5: {  	s25 =	simm.s32 $0x1B8E;
	s24 =	sld [smem:$0x3FFE];
	[sflag:s23] =	ssyncadd.s32 $0xFFFFFFFF  }
0xa6: {  	s26 =	simm.s32 $execute0_lowered;
	[smem:$0x3FD2] =	sst s25  }
0xa7: {  	s6 =	sshll.u32 s26, $0x1;
	_ =	strace $0x80000046;
	[dreg:$0x1] =	wrdreg $0xFFFFFFFF  }
0xa8: {  	s28 =	simm.s32 $_size_execute0_lowered;
	s4 =	sadd.s32 s4, s6;
	[dreg:$0x0] =	wrdreg $0x0  }
0xa9: {  	s6 =	sshll.u32 s28, $0x1;
	[dreg:$0x2] =	wrdreg s4  }
0xaa: {  	[dreg:$0x3] =	wrdreg s6  }
0xab: {  	[dreg:$0x4] =	wrdreg $0xC0  }
0xac: {  	_ =	task [dreg:s8], $0x5FFFF  }
0xad: {  	[dreg:$0x1] =	wrdreg $0xFFFFFFFF  }
0xae: {  	[dreg:$0x0] =	wrdreg $0x60  }
0xaf: {  	[dreg:$0x2] =	wrdreg s2  }
0xb0: {  	[dreg:$0x3] =	wrdreg s24  }
0xb1: {  	[dreg:$0x4] =	wrdreg s18  }
0xb2: {  	[dreg:$0x5] =	wrdreg $0x9  }
0xb3: {  	_ =	task.clear_ibuf [dreg:s8], $0x6FFFF;
	_ =	strace $0x90000046  }
0xb4: {  	s29 =	simm.s32 $0x9;
	_ =	strace $0x80000048  }
0xb5: {  	_ =	swait.ge [sflag:s29], $0x1  }
0xb6: {  	[sflag:s29] =	ssyncadd.s32 $0xFFFFFFFF  }
0xb7: {  	_ =	strace $0x90000048  }
0xb8: {  	_ =	sfence  }
0xb9: {  	s30 =	sld [smem:$0x0];
	_ =	sdelay $0x2  }
0xba: {  	s31 =	sshll.u32 s1, $0xD;
	s1 =	sshrl.u32 s1, $0x2  }
0xbb: {  	s3 =	sand.u32 $0x4000, s31;
	s1 =	sadd.s32 s1, s30  }
0xbc: {  	s0 =	sor.u32 s3, s0;
	s1 =	sshll.u32 s1, $0x11  }
0xbd: {  	s0 =	sor.u32 s1, s0  }
0xbe: {  	s0 =	sadd.s32 $0x8F2B, s0  }
0xbf: {  	[sflag:s0] =	ssyncadd.remote.s32 $0x1  }
0xc0: {  	_ =	sfence.sel $0xFFFF  }
0xc1: {  	[dreg:$0x0] =	wrdreg $0xFFFFFFFF;
	(pc) =	sbr.abs _section_cstart, $3  }
0xc2: {  	[dreg:$0x1] =	wrdreg $0xFFFFFFFF  }
0xc3: {  	_ =	task.clear_ibuf [dreg:s8], $0x2FFFF;
	_ =	strace $0x9FFFFFFF  }
0xc4: {  	(tm) =	ssettm $0x7FFFFFFF  }
0xc5: {  	_ =	shalt  }
tec
execute0_lowered:
.L_overlay_start_1:
0x0: {  	(tag) =	ssettag $0x1  }
0x1: {  	s1 =	rddreg [dreg:$0x0]  }
0x2: {  	s0 =	srdreg.scid;
	s6 =	rddreg [dreg:$0x1]  }
0x3: {  	s2 =	stileid.u32;
	s3 =	rddreg [dreg:$0x2];
	s5 =	simm.s32 $0x0  }
0x4: {  	s11 =	simm.s32 $0xB;
	s13 =	simm.s32 $0x50;
	s14 =	simm.s32 $0x4F00  }
0x5: {  	s16 =	simm.s32 $0x7700;
	s20 =	simm.s32 $0x9F00;
	s23 =	simm.s32 $0xC700  }
0x6: {  	s24 =	simm.s32 $0x18F00;
	s25 =	simm.s32 $0x1;
	s26 =	simm.s32 $0xEF00  }
0x7: {  	s28 =	simm.s32 $0x1B700;
	s29 =	simm.s32 $0x2;
	s30 =	simm.s32 $0x3  }
0x8: {  	s31 =	simm.s32 $0x4;
	s0 =	sand.u32 $0x1, s0;
	s2 =	sshll.u32 s2, $0x1  }
0x9: {  	s17 =	simm.s32 $0x8;
	s2 =	sor.u32 s0, s2;
	s0 =	ssub.s32 $0x2, s0  }
0xa: {  	s18 =	simm.s32 $0x9;
	s4 =	smul.u32 $0x2710, s2;
	s7 =	sshrl.u32 s0, $0x1  }
0xb: {  	s19 =	simm.s32 $0xA;
	s21 =	simm.s32 $0x0;
	s0 =	ssub.s32 s0, s7  }
0xc: {  	[smem:$0x7FF] =	sst s5;
	s2 =	sshrl.u32 s4, $0x3;
	s0 =	smax.u32 s0, $0x1  }
0xd: {  	_ =	strace $0x80000047;
	s2 =	sadd.s32 s6, s2;
	[dreg:$0x6] =	wrdreg s0  }
0xe: {  	s8 =	sadd.s32 $0x50, s4;
	[dreg:$0x4] =	wrdreg s2;
	s2 =	sadd.s32 $0x9E00, s2  }
0xf: {  	s9 =	sadd.s32 $0xA0, s4;
	[dreg:$0x5] =	wrdreg s2;
	s2 =	simm.s32 $0x5  }
.LBB2_1:
0x10: {  	s0 =	rddreg [dreg:$0x5]  }
0x11: {  	[tilespmem:s5], [sflag:$0xB] =	stream.linear.gather [hbm4b:s0+s5], $0x2710, $0x38;
	[tilespmem:$0x1DF00] =	vst v63  }
0x12: {  	_ =	swait.ge [sflag:s11], $0x2710  }
0x13: {  	[sflag:s11] =	ssyncset.done $0x0  }
0x14: {  	s6 =	simm.s32 $0x2780;
	s15 =	rddreg [dreg:$0x4];
	[sflag:s11] =	ssyncadd.s32 $0xFFFFD8F0  }
0x15: {  	[tilespmem:s6], [sflag:$0xB] =	stream.linear.gather [hbm4b:s15+s5], $0x2710, $0x38;
	[tilespmem:$0x1DF00] =	vst v63  }
0x16: {  	_ =	swait.ge [sflag:s11], $0x2710  }
0x17: {  	[sflag:s11] =	ssyncset.done $0x0  }
0x18: {  	[sflag:s11] =	ssyncadd.s32 $0xFFFFD8F0  }
0x19: {  	[tilespmem:s14], [sflag:$0x1] =	stream.indirect.gather [hbm4b:s1+s13], $0x80, s5, s13, $0xb8;
	[tilespmem:$0x1DF00] =	vst v63  }
0x1a: {  	s22 =	simm.s32 $0x11700  }
0x1b: {  	[tilespmem:s22], [sflag:$0x1] =	stream.indirect.gather [hbm4b:s1+s13], $0x80, s6, s13, $0xb8;
	[tilespmem:$0x1DF00] =	vst v63  }
0x1c: {  	_ = 	snop  }
0x1d: {  	[tilespmem:s16], [sflag:$0x2] =	stream.indirect.gather [hbm4b:s1+s13], $0x80, s13, s13, $0xb8;
	[tilespmem:$0x1DF00] =	vst v63  }
0x1e: {  	s7 =	simm.s32 $0x27D0;
	s10 =	simm.s32 $0x13F00  }
0x1f: {  	[tilespmem:s10], [sflag:$0x2] =	stream.indirect.gather [hbm4b:s1+s13], $0x80, s7, s13, $0xb8;
	[tilespmem:$0x1DF00] =	vst v63  }
0x20: {  	s12 =	simm.s32 $0xA0  }
0x21: {  	[tilespmem:s20], [sflag:$0x3] =	stream.indirect.gather [hbm4b:s1+s13], $0x80, s12, s13, $0xb8;
	[tilespmem:$0x1DF00] =	vst v63  }
0x22: {  	s15 =	simm.s32 $0x2820;
	s22 =	simm.s32 $0x16700  }
0x23: {  	[tilespmem:s22], [sflag:$0x3] =	stream.indirect.gather [hbm4b:s1+s13], $0x80, s15, s13, $0xb8;
	[tilespmem:$0x1DF00] =	vst v63  }
0x24: {  	s22 =	simm.s32 $0x0  }
.LBB2_2:
0x25: {  	p0 =	seq.s32 s22, $0x0  }
0x26: {  	s0 =	simm.s32 @!p0 $0x9  }
0x27: {  	s12 =	smul.u32 $0x190, s22;
	_ =	swait.ge @!p0 [sflag:s0], $0x2800  }
0x28: {  	[sflag:s0] =	ssyncset.done @!p0 $0x0  }
0x29: {  	s10 =	sadd.s32 $0xF0, s12;
	[sflag:s0] =	ssyncadd.s32 @!p0 $0xFFFFD800  }
0x2a: {  	[tilespmem:s23], [sflag:$0x4] =	stream.indirect.gather [hbm4b:s1+s13], $0x80, s10, s13, $0xb8;
	[tilespmem:$0x1DF00] =	vst v63  }
0x2b: {  	s15 =	sadd.s32 $0x2870, s12  }
0x2c: {  	[tilespmem:s24], [sflag:$0x4] =	stream.indirect.gather [hbm4b:s1+s13], $0x80, s15, s13, $0xb8;
	[tilespmem:$0x1DF00] =	vst v63  }
0x2d: {  	_ =	swait.ge [sflag:s25], $0x2800  }
0x2e: {  	[sflag:s25] =	ssyncset.done $0x0  }
0x2f: {  	[sflag:s25] =	ssyncadd.s32 $0xFFFFD800  }
0x30: {  	_ =	swait.ge [sflag:s25], $0x2800  }
0x31: {  	[sflag:s25] =	ssyncset.done $0x0  }
0x32: {  	s7 =	simm.s32 $0x0;
	[sflag:s25] =	ssyncadd.s32 $0xFFFFD800  }
0x33: {  	v7 =	vld [tilespmem:s7+$0x11700]  }
0x34: {  	v11 =	vld [tilespmem:s7+$0x11710]  }
0x35: {  	v5 =	vld [tilespmem:s7+$0x11720]  }
0x36: {  	v4 =	vld [tilespmem:s7+$0x11730]  }
0x37: {  	v3 =	vld [tilespmem:s7+$0x11740]  }
0x38: {  	v2 =	vld [tilespmem:s7+$0x11750]  }
0x39: {  	v1 =	vld [tilespmem:s7+$0x11760]  }
0x3a: {  	v0 =	vld [tilespmem:s7+$0x11770]  }
0x3b: {  	v12 =	vld [tilespmem:s7+$0x4F00]  }
0x3c: {  	v13 =	vld [tilespmem:s7+$0x4F10]  }
0x3d: {  	v10 =	vld [tilespmem:s7+$0x4F20]  }
0x3e: {  	v9 =	vld [tilespmem:s7+$0x4F30]  }
0x3f: {  	v8 =	vld [tilespmem:s7+$0x4F40]  }
0x40: {  	v6 =	vld [tilespmem:s7+$0x4F50];
	v12 =	vmul.f32 v7, v12  }
0x41: {  	s6 =	simm.s32 $0x200;
	v11 =	vmul.f32 v11, v13;
	v7 =	vld [tilespmem:s7+$0x4F60]  }
.LBB2_3:
0x42: {  	s0 =	sshra.s32 s6, $0x2;
	p1 =	sne.s32 s6, $0x9E00;
	[tilespmem:s7+$0x4F00] =	vst v12;
	v5 =	vmul.f32 v5, v10;
	v10 =	vld [tilespmem:s7+$0x4F70]  }
0x43: {  	v12 =	vld [tilespmem:s0+$0x11700];
	[tilespmem:s7+$0x4F10] =	vst v11;
	v4 =	vmul.f32 v4, v9  }
0x44: {  	v11 =	vld [tilespmem:s0+$0x11710];
	[tilespmem:s7+$0x4F20] =	vst v5;
	v3 =	vmul.f32 v3, v8  }
0x45: {  	v5 =	vld [tilespmem:s0+$0x11720];
	[tilespmem:s7+$0x4F30] =	vst v4;
	v2 =	vmul.f32 v2, v6  }
0x46: {  	v4 =	vld [tilespmem:s0+$0x11730];
	[tilespmem:s7+$0x4F40] =	vst v3;
	v1 =	vmul.f32 v1, v7  }
0x47: {  	v3 =	vld [tilespmem:s0+$0x11740];
	[tilespmem:s7+$0x4F50] =	vst v2;
	v0 =	vmul.f32 v0, v10  }
0x48: {  	v2 =	vld [tilespmem:s0+$0x11750];
	[tilespmem:s7+$0x4F60] =	vst v1  }
0x49: {  	v1 =	vld [tilespmem:s0+$0x11760];
	[tilespmem:s7+$0x4F70] =	vst v0;
	s7 =	smov.u32 s0  }
0x4a: {  	v0 =	vld [tilespmem:s7+$0x11770]  }
0x4b: {  	v6 =	vld [tilespmem:s7+$0x4F00]  }
0x4c: {  	v7 =	vld [tilespmem:s7+$0x4F10]  }
.Ltmp0:
0x4d: {  	v10 =	vld [tilespmem:s7+$0x4F20];
	(pc) =	sbr.rel @p1 .LBB2_3-.Ltmp0, $4  }
0x4e: {  	v9 =	vld [tilespmem:s7+$0x4F30]  }
0x4f: {  	v8 =	vld [tilespmem:s7+$0x4F40]  }
0x50: {  	v12 =	vmul.f32 v12, v6;
	v6 =	vld [tilespmem:s7+$0x4F50]  }
0x51: {  	s6 =	sadd.s32 $0x200, s6;
	v11 =	vmul.f32 v11, v7;
	v7 =	vld [tilespmem:s7+$0x4F60]  }
0x52: {  	[tilespmem:s7+$0x4F00] =	vst v12;
	v5 =	vmul.f32 v5, v10;
	v10 =	vld [tilespmem:s7+$0x4F70]  }
0x53: {  	[tilespmem:s7+$0x4F10] =	vst v11;
	v4 =	vmul.f32 v4, v9  }
0x54: {  	[tilespmem:s7+$0x4F20] =	vst v5;
	v3 =	vmul.f32 v3, v8  }
0x55: {  	[tilespmem:s7+$0x4F30] =	vst v4;
	v2 =	vmul.f32 v2, v6  }
0x56: {  	[tilespmem:s7+$0x4F40] =	vst v3;
	v1 =	vmul.f32 v1, v7  }
0x57: {  	s0 =	sadd.s32 s4, s12;
	[tilespmem:s7+$0x4F50] =	vst v2;
	v0 =	vmul.f32 v0, v10  }
0x58: {  	s0 =	sshll.u32 s0, $0x4;
	[tilespmem:s7+$0x4F60] =	vst v1  }
0x59: {  	s0 =	sadd.s32 s3, s0;
	[tilespmem:s7+$0x4F70] =	vst v0  }
0x5a: {  	[hbm4b:s0+s5] =	stream.linear.scatter [tilespmem:s14], [sflag:$0x6], $0x2800, $0x38;
	[tilespmem:$0x1DF00] =	vst v63  }
0x5b: {  	s0 =	simm.s32 @!p0 $0xA  }
0x5c: {  	_ =	swait.ge @!p0 [sflag:s0], $0x2800  }
0x5d: {  	[sflag:s0] =	ssyncset.done @!p0 $0x0  }
0x5e: {  	s7 =	sadd.s32 $0x140, s12;
	[sflag:s0] =	ssyncadd.s32 @!p0 $0xFFFFD800  }
0x5f: {  	[tilespmem:s26], [sflag:$0x5] =	stream.indirect.gather [hbm4b:s1+s13], $0x80, s7, s13, $0xb8;
	[tilespmem:$0x1DF00] =	vst v63  }
0x60: {  	s15 =	sadd.s32 $0x28C0, s12  }
0x61: {  	[tilespmem:s28], [sflag:$0x5] =	stream.indirect.gather [hbm4b:s1+s13], $0x80, s15, s13, $0xb8;
	[tilespmem:$0x1DF00] =	vst v63  }
0x62: {  	_ =	swait.ge [sflag:s29], $0x2800  }
0x63: {  	[sflag:s29] =	ssyncset.done $0x0  }
0x64: {  	[sflag:s29] =	ssyncadd.s32 $0xFFFFD800  }
0x65: {  	_ =	swait.ge [sflag:s29], $0x2800  }
0x66: {  	[sflag:s29] =	ssyncset.done $0x0  }
0x67: {  	s6 =	simm.s32 $0x0;
	[sflag:s29] =	ssyncadd.s32 $0xFFFFD800  }
0x68: {  	v7 =	vld [tilespmem:s6+$0x13F00]  }
0x69: {  	v11 =	vld [tilespmem:s6+$0x13F10]  }
0x6a: {  	v5 =	vld [tilespmem:s6+$0x13F20]  }
0x6b: {  	v4 =	vld [tilespmem:s6+$0x13F30]  }
0x6c: {  	v3 =	vld [tilespmem:s6+$0x13F40]  }
0x6d: {  	v2 =	vld [tilespmem:s6+$0x13F50]  }
0x6e: {  	v1 =	vld [tilespmem:s6+$0x13F60]  }
0x6f: {  	v0 =	vld [tilespmem:s6+$0x13F70]  }
0x70: {  	v12 =	vld [tilespmem:s6+$0x7700]  }
0x71: {  	v13 =	vld [tilespmem:s6+$0x7710]  }
0x72: {  	v10 =	vld [tilespmem:s6+$0x7720]  }
0x73: {  	v9 =	vld [tilespmem:s6+$0x7730]  }
0x74: {  	v8 =	vld [tilespmem:s6+$0x7740]  }
0x75: {  	v6 =	vld [tilespmem:s6+$0x7750];
	v12 =	vmul.f32 v7, v12  }
0x76: {  	s0 =	simm.s32 $0x200;
	v11 =	vmul.f32 v11, v13;
	v7 =	vld [tilespmem:s6+$0x7760]  }
.LBB2_5:
0x77: {  	s15 =	sshra.s32 s0, $0x2;
	p0 =	sne.s32 s0, $0x9E00;
	[tilespmem:s6+$0x7700] =	vst v12;
	v5 =	vmul.f32 v5, v10;
	v10 =	vld [tilespmem:s6+$0x7770]  }
0x78: {  	v12 =	vld [tilespmem:s15+$0x13F00];
	[tilespmem:s6+$0x7710] =	vst v11;
	v4 =	vmul.f32 v4, v9  }
0x79: {  	v11 =	vld [tilespmem:s15+$0x13F10];
	[tilespmem:s6+$0x7720] =	vst v5;
	v3 =	vmul.f32 v3, v8  }
0x7a: {  	v5 =	vld [tilespmem:s15+$0x13F20];
	[tilespmem:s6+$0x7730] =	vst v4;
	v2 =	vmul.f32 v2, v6  }
0x7b: {  	v4 =	vld [tilespmem:s15+$0x13F30];
	[tilespmem:s6+$0x7740] =	vst v3;
	v1 =	vmul.f32 v1, v7  }
0x7c: {  	v3 =	vld [tilespmem:s15+$0x13F40];
	[tilespmem:s6+$0x7750] =	vst v2;
	v0 =	vmul.f32 v0, v10  }
0x7d: {  	v2 =	vld [tilespmem:s15+$0x13F50];
	[tilespmem:s6+$0x7760] =	vst v1  }
0x7e: {  	v1 =	vld [tilespmem:s15+$0x13F60];
	[tilespmem:s6+$0x7770] =	vst v0;
	s6 =	smov.u32 s15  }
0x7f: {  	v0 =	vld [tilespmem:s6+$0x13F70]  }
0x80: {  	v6 =	vld [tilespmem:s6+$0x7700]  }
0x81: {  	v7 =	vld [tilespmem:s6+$0x7710]  }
.Ltmp1:
0x82: {  	v10 =	vld [tilespmem:s6+$0x7720];
	(pc) =	sbr.rel @p0 .LBB2_5-.Ltmp1, $4  }
0x83: {  	v9 =	vld [tilespmem:s6+$0x7730]  }
0x84: {  	v8 =	vld [tilespmem:s6+$0x7740]  }
0x85: {  	v12 =	vmul.f32 v12, v6;
	v6 =	vld [tilespmem:s6+$0x7750]  }
0x86: {  	s0 =	sadd.s32 $0x200, s0;
	v11 =	vmul.f32 v11, v7;
	v7 =	vld [tilespmem:s6+$0x7760]  }
0x87: {  	[tilespmem:s6+$0x7700] =	vst v12;
	v5 =	vmul.f32 v5, v10;
	v10 =	vld [tilespmem:s6+$0x7770]  }
0x88: {  	[tilespmem:s6+$0x7710] =	vst v11;
	v4 =	vmul.f32 v4, v9  }
0x89: {  	[tilespmem:s6+$0x7720] =	vst v5;
	v3 =	vmul.f32 v3, v8  }
0x8a: {  	[tilespmem:s6+$0x7730] =	vst v4;
	v2 =	vmul.f32 v2, v6  }
0x8b: {  	[tilespmem:s6+$0x7740] =	vst v3;
	v1 =	vmul.f32 v1, v7  }
0x8c: {  	s0 =	sadd.s32 s12, s8;
	[tilespmem:s6+$0x7750] =	vst v2;
	v0 =	vmul.f32 v0, v10  }
0x8d: {  	s0 =	sshll.u32 s0, $0x4;
	[tilespmem:s6+$0x7760] =	vst v1  }
0x8e: {  	p0 =	seq.s32 s22, $0x18;
	s0 =	sadd.s32 s3, s0;
	[tilespmem:s6+$0x7770] =	vst v0  }
0x8f: {  	[hbm4b:s0+s5] =	stream.linear.scatter [tilespmem:s16], [sflag:$0x7], $0x2800, $0x38;
	[tilespmem:$0x1DF00] =	vst v63  }
0x90: {  	s0 =	simm.s32 @!p0 $0x6  }
0x91: {  	_ =	swait.ge @!p0 [sflag:s0], $0x2800  }
0x92: {  	s15 =	simm.s32 @!p0 $0x4F00;
	[sflag:s0] =	ssyncset.done @!p0 $0x0  }
0x93: {  	s6 =	simm.s32 @!p0 $0x50;
	[sflag:s0] =	ssyncadd.s32 @!p0 $0xFFFFD800;
	s0 =	sadd.s32 @!p0 $0x190, s12  }
0x94: {  	[tilespmem:s15], [sflag:$0x1] =	stream.indirect.gather @!p0 [hbm4b:s1+s6], $0x80, s0, s6, $0xb8;
	[tilespmem:$0x1DF00] =	vst v63  }
0x95: {  	s0 =	sadd.s32 @!p0 $0x2910, s12;
	s15 =	simm.s32 @!p0 $0x11700  }
0x96: {  	[tilespmem:s15], [sflag:$0x1] =	stream.indirect.gather @!p0 [hbm4b:s1+s6], $0x80, s0, s6, $0xb8;
	[tilespmem:$0x1DF00] =	vst v63  }
0x97: {  	_ =	swait.ge [sflag:s30], $0x2800  }
0x98: {  	[sflag:s30] =	ssyncset.done $0x0  }
0x99: {  	[sflag:s30] =	ssyncadd.s32 $0xFFFFD800  }
0x9a: {  	_ =	swait.ge [sflag:s30], $0x2800  }
0x9b: {  	[sflag:s30] =	ssyncset.done $0x0  }
0x9c: {  	s6 =	simm.s32 $0x0;
	[sflag:s30] =	ssyncadd.s32 $0xFFFFD800  }
0x9d: {  	v7 =	vld [tilespmem:s6+$0x16700]  }
0x9e: {  	v11 =	vld [tilespmem:s6+$0x16710]  }
0x9f: {  	v5 =	vld [tilespmem:s6+$0x16720]  }
0xa0: {  	v4 =	vld [tilespmem:s6+$0x16730]  }
0xa1: {  	v3 =	vld [tilespmem:s6+$0x16740]  }
0xa2: {  	v2 =	vld [tilespmem:s6+$0x16750]  }
0xa3: {  	v1 =	vld [tilespmem:s6+$0x16760]  }
0xa4: {  	v0 =	vld [tilespmem:s6+$0x16770]  }
0xa5: {  	v12 =	vld [tilespmem:s6+$0x9F00]  }
0xa6: {  	v13 =	vld [tilespmem:s6+$0x9F10]  }
0xa7: {  	v10 =	vld [tilespmem:s6+$0x9F20]  }
0xa8: {  	v9 =	vld [tilespmem:s6+$0x9F30]  }
0xa9: {  	v8 =	vld [tilespmem:s6+$0x9F40]  }
0xaa: {  	v6 =	vld [tilespmem:s6+$0x9F50];
	v12 =	vmul.f32 v7, v12  }
0xab: {  	s0 =	simm.s32 $0x200;
	v11 =	vmul.f32 v11, v13;
	v7 =	vld [tilespmem:s6+$0x9F60]  }
.LBB2_7:
0xac: {  	s15 =	sshra.s32 s0, $0x2;
	p1 =	sne.s32 s0, $0x9E00;
	[tilespmem:s6+$0x9F00] =	vst v12;
	v5 =	vmul.f32 v5, v10;
	v10 =	vld [tilespmem:s6+$0x9F70]  }
0xad: {  	v12 =	vld [tilespmem:s15+$0x16700];
	[tilespmem:s6+$0x9F10] =	vst v11;
	v4 =	vmul.f32 v4, v9  }
0xae: {  	v11 =	vld [tilespmem:s15+$0x16710];
	[tilespmem:s6+$0x9F20] =	vst v5;
	v3 =	vmul.f32 v3, v8  }
0xaf: {  	v5 =	vld [tilespmem:s15+$0x16720];
	[tilespmem:s6+$0x9F30] =	vst v4;
	v2 =	vmul.f32 v2, v6  }
0xb0: {  	v4 =	vld [tilespmem:s15+$0x16730];
	[tilespmem:s6+$0x9F40] =	vst v3;
	v1 =	vmul.f32 v1, v7  }
0xb1: {  	v3 =	vld [tilespmem:s15+$0x16740];
	[tilespmem:s6+$0x9F50] =	vst v2;
	v0 =	vmul.f32 v0, v10  }
0xb2: {  	v2 =	vld [tilespmem:s15+$0x16750];
	[tilespmem:s6+$0x9F60] =	vst v1  }
0xb3: {  	v1 =	vld [tilespmem:s15+$0x16760];
	[tilespmem:s6+$0x9F70] =	vst v0;
	s6 =	smov.u32 s15  }
0xb4: {  	v0 =	vld [tilespmem:s6+$0x16770]  }
0xb5: {  	v6 =	vld [tilespmem:s6+$0x9F00]  }
0xb6: {  	v7 =	vld [tilespmem:s6+$0x9F10]  }
.Ltmp2:
0xb7: {  	v10 =	vld [tilespmem:s6+$0x9F20];
	(pc) =	sbr.rel @p1 .LBB2_7-.Ltmp2, $4  }
0xb8: {  	v9 =	vld [tilespmem:s6+$0x9F30]  }
0xb9: {  	v8 =	vld [tilespmem:s6+$0x9F40]  }
0xba: {  	v12 =	vmul.f32 v12, v6;
	v6 =	vld [tilespmem:s6+$0x9F50]  }
0xbb: {  	s0 =	sadd.s32 $0x200, s0;
	v11 =	vmul.f32 v11, v7;
	v7 =	vld [tilespmem:s6+$0x9F60]  }
0xbc: {  	[tilespmem:s6+$0x9F00] =	vst v12;
	v5 =	vmul.f32 v5, v10;
	v10 =	vld [tilespmem:s6+$0x9F70]  }
0xbd: {  	[tilespmem:s6+$0x9F10] =	vst v11;
	v4 =	vmul.f32 v4, v9  }
0xbe: {  	[tilespmem:s6+$0x9F20] =	vst v5;
	v3 =	vmul.f32 v3, v8  }
0xbf: {  	[tilespmem:s6+$0x9F30] =	vst v4;
	v2 =	vmul.f32 v2, v6  }
0xc0: {  	[tilespmem:s6+$0x9F40] =	vst v3;
	v1 =	vmul.f32 v1, v7  }
0xc1: {  	s0 =	sadd.s32 s12, s9;
	[tilespmem:s6+$0x9F50] =	vst v2;
	v0 =	vmul.f32 v0, v10  }
0xc2: {  	s0 =	sshll.u32 s0, $0x4;
	[tilespmem:s6+$0x9F60] =	vst v1  }
0xc3: {  	s0 =	sadd.s32 s3, s0;
	[tilespmem:s6+$0x9F70] =	vst v0  }
0xc4: {  	[hbm4b:s0+s5] =	stream.linear.scatter [tilespmem:s20], [sflag:$0x8], $0x2800, $0x38;
	[tilespmem:$0x1DF00] =	vst v63  }
0xc5: {  	s0 =	simm.s32 @!p0 $0x7  }
0xc6: {  	_ =	swait.ge @!p0 [sflag:s0], $0x2800  }
0xc7: {  	s15 =	simm.s32 @!p0 $0x7700;
	[sflag:s0] =	ssyncset.done @!p0 $0x0  }
0xc8: {  	s6 =	simm.s32 @!p0 $0x50;
	[sflag:s0] =	ssyncadd.s32 @!p0 $0xFFFFD800;
	s0 =	sadd.s32 @!p0 $0x1E0, s12  }
0xc9: {  	[tilespmem:s15], [sflag:$0x2] =	stream.indirect.gather @!p0 [hbm4b:s1+s6], $0x80, s0, s6, $0xb8;
	[tilespmem:$0x1DF00] =	vst v63  }
0xca: {  	s0 =	sadd.s32 @!p0 $0x2960, s12;
	s15 =	simm.s32 @!p0 $0x13F00  }
0xcb: {  	[tilespmem:s15], [sflag:$0x2] =	stream.indirect.gather @!p0 [hbm4b:s1+s6], $0x80, s0, s6, $0xb8;
	[tilespmem:$0x1DF00] =	vst v63  }
0xcc: {  	_ =	swait.ge [sflag:s31], $0x2800  }
0xcd: {  	[sflag:s31] =	ssyncset.done $0x0  }
0xce: {  	[sflag:s31] =	ssyncadd.s32 $0xFFFFD800  }
0xcf: {  	_ =	swait.ge [sflag:s31], $0x2800  }
0xd0: {  	[sflag:s31] =	ssyncset.done $0x0  }
0xd1: {  	s6 =	simm.s32 $0x0;
	[sflag:s31] =	ssyncadd.s32 $0xFFFFD800  }
0xd2: {  	v7 =	vld [tilespmem:s6+$0x18F00]  }
0xd3: {  	v11 =	vld [tilespmem:s6+$0x18F10]  }
0xd4: {  	v5 =	vld [tilespmem:s6+$0x18F20]  }
0xd5: {  	v4 =	vld [tilespmem:s6+$0x18F30]  }
0xd6: {  	v3 =	vld [tilespmem:s6+$0x18F40]  }
0xd7: {  	v2 =	vld [tilespmem:s6+$0x18F50]  }
0xd8: {  	v1 =	vld [tilespmem:s6+$0x18F60]  }
0xd9: {  	v0 =	vld [tilespmem:s6+$0x18F70]  }
0xda: {  	v12 =	vld [tilespmem:s6+$0xC700]  }
0xdb: {  	v13 =	vld [tilespmem:s6+$0xC710]  }
0xdc: {  	v10 =	vld [tilespmem:s6+$0xC720]  }
0xdd: {  	v9 =	vld [tilespmem:s6+$0xC730]  }
0xde: {  	v8 =	vld [tilespmem:s6+$0xC740]  }
0xdf: {  	v6 =	vld [tilespmem:s6+$0xC750];
	v12 =	vmul.f32 v7, v12  }
0xe0: {  	s0 =	simm.s32 $0x200;
	v11 =	vmul.f32 v11, v13;
	v7 =	vld [tilespmem:s6+$0xC760]  }
.LBB2_9:
0xe1: {  	s15 =	sshra.s32 s0, $0x2;
	p1 =	sne.s32 s0, $0x9E00;
	[tilespmem:s6+$0xC700] =	vst v12;
	v5 =	vmul.f32 v5, v10;
	v10 =	vld [tilespmem:s6+$0xC770]  }
0xe2: {  	v12 =	vld [tilespmem:s15+$0x18F00];
	[tilespmem:s6+$0xC710] =	vst v11;
	v4 =	vmul.f32 v4, v9  }
0xe3: {  	v11 =	vld [tilespmem:s15+$0x18F10];
	[tilespmem:s6+$0xC720] =	vst v5;
	v3 =	vmul.f32 v3, v8  }
0xe4: {  	v5 =	vld [tilespmem:s15+$0x18F20];
	[tilespmem:s6+$0xC730] =	vst v4;
	v2 =	vmul.f32 v2, v6  }
0xe5: {  	v4 =	vld [tilespmem:s15+$0x18F30];
	[tilespmem:s6+$0xC740] =	vst v3;
	v1 =	vmul.f32 v1, v7  }
0xe6: {  	v3 =	vld [tilespmem:s15+$0x18F40];
	[tilespmem:s6+$0xC750] =	vst v2;
	v0 =	vmul.f32 v0, v10  }
0xe7: {  	v2 =	vld [tilespmem:s15+$0x18F50];
	[tilespmem:s6+$0xC760] =	vst v1  }
0xe8: {  	v1 =	vld [tilespmem:s15+$0x18F60];
	[tilespmem:s6+$0xC770] =	vst v0;
	s6 =	smov.u32 s15  }
0xe9: {  	v0 =	vld [tilespmem:s6+$0x18F70]  }
0xea: {  	v6 =	vld [tilespmem:s6+$0xC700]  }
0xeb: {  	v7 =	vld [tilespmem:s6+$0xC710]  }
.Ltmp3:
0xec: {  	v10 =	vld [tilespmem:s6+$0xC720];
	(pc) =	sbr.rel @p1 .LBB2_9-.Ltmp3, $4  }
0xed: {  	v9 =	vld [tilespmem:s6+$0xC730]  }
0xee: {  	v8 =	vld [tilespmem:s6+$0xC740]  }
0xef: {  	v12 =	vmul.f32 v12, v6;
	v6 =	vld [tilespmem:s6+$0xC750]  }
0xf0: {  	s0 =	sadd.s32 $0x200, s0;
	v11 =	vmul.f32 v11, v7;
	v7 =	vld [tilespmem:s6+$0xC760]  }
0xf1: {  	[tilespmem:s6+$0xC700] =	vst v12;
	v5 =	vmul.f32 v5, v10;
	v10 =	vld [tilespmem:s6+$0xC770]  }
0xf2: {  	[tilespmem:s6+$0xC710] =	vst v11;
	v4 =	vmul.f32 v4, v9  }
0xf3: {  	[tilespmem:s6+$0xC720] =	vst v5;
	v3 =	vmul.f32 v3, v8  }
0xf4: {  	[tilespmem:s6+$0xC730] =	vst v4;
	v2 =	vmul.f32 v2, v6  }
0xf5: {  	[tilespmem:s6+$0xC740] =	vst v3;
	v1 =	vmul.f32 v1, v7  }
0xf6: {  	s0 =	sadd.s32 s4, s10;
	[tilespmem:s6+$0xC750] =	vst v2;
	v0 =	vmul.f32 v0, v10  }
0xf7: {  	s0 =	sshll.u32 s0, $0x4;
	[tilespmem:s6+$0xC760] =	vst v1  }
0xf8: {  	s0 =	sadd.s32 s3, s0;
	[tilespmem:s6+$0xC770] =	vst v0  }
0xf9: {  	[hbm4b:s0+s5] =	stream.linear.scatter [tilespmem:s23], [sflag:$0x9], $0x2800, $0x38;
	[tilespmem:$0x1DF00] =	vst v63  }
0xfa: {  	s0 =	simm.s32 @!p0 $0x8  }
0xfb: {  	_ =	swait.ge @!p0 [sflag:s0], $0x2800  }
0xfc: {  	s10 =	simm.s32 @!p0 $0x9F00;
	[sflag:s0] =	ssyncset.done @!p0 $0x0  }
0xfd: {  	s6 =	simm.s32 @!p0 $0x50;
	[sflag:s0] =	ssyncadd.s32 @!p0 $0xFFFFD800;
	s0 =	sadd.s32 @!p0 $0x230, s12  }
0xfe: {  	[tilespmem:s10], [sflag:$0x3] =	stream.indirect.gather @!p0 [hbm4b:s1+s6], $0x80, s0, s6, $0xb8;
	[tilespmem:$0x1DF00] =	vst v63  }
0xff: {  	s0 =	sadd.s32 @!p0 $0x29B0, s12;
	s10 =	simm.s32 @!p0 $0x16700  }
0x100: {  	[tilespmem:s10], [sflag:$0x3] =	stream.indirect.gather @!p0 [hbm4b:s1+s6], $0x80, s0, s6, $0xb8;
	[tilespmem:$0x1DF00] =	vst v63  }
0x101: {  	_ =	swait.ge [sflag:s2], $0x2800  }
0x102: {  	[sflag:s2] =	ssyncset.done $0x0  }
0x103: {  	[sflag:s2] =	ssyncadd.s32 $0xFFFFD800  }
0x104: {  	_ =	swait.ge [sflag:s2], $0x2800  }
0x105: {  	[sflag:s2] =	ssyncset.done $0x0  }
0x106: {  	s6 =	simm.s32 $0x0;
	[sflag:s2] =	ssyncadd.s32 $0xFFFFD800  }
0x107: {  	v7 =	vld [tilespmem:s6+$0x1B700]  }
0x108: {  	v11 =	vld [tilespmem:s6+$0x1B710]  }
0x109: {  	v5 =	vld [tilespmem:s6+$0x1B720]  }
0x10a: {  	v4 =	vld [tilespmem:s6+$0x1B730]  }
0x10b: {  	v3 =	vld [tilespmem:s6+$0x1B740]  }
0x10c: {  	v2 =	vld [tilespmem:s6+$0x1B750]  }
0x10d: {  	v1 =	vld [tilespmem:s6+$0x1B760]  }
0x10e: {  	v0 =	vld [tilespmem:s6+$0x1B770]  }
0x10f: {  	v12 =	vld [tilespmem:s6+$0xEF00]  }
0x110: {  	v13 =	vld [tilespmem:s6+$0xEF10]  }
0x111: {  	v10 =	vld [tilespmem:s6+$0xEF20]  }
0x112: {  	v9 =	vld [tilespmem:s6+$0xEF30]  }
0x113: {  	v8 =	vld [tilespmem:s6+$0xEF40]  }
0x114: {  	v6 =	vld [tilespmem:s6+$0xEF50];
	v12 =	vmul.f32 v7, v12  }
0x115: {  	s0 =	simm.s32 $0x200;
	v11 =	vmul.f32 v11, v13;
	v7 =	vld [tilespmem:s6+$0xEF60]  }
.LBB2_11:
0x116: {  	s10 =	sshra.s32 s0, $0x2;
	p0 =	sne.s32 s0, $0x9E00;
	[tilespmem:s6+$0xEF00] =	vst v12;
	v5 =	vmul.f32 v5, v10;
	v10 =	vld [tilespmem:s6+$0xEF70]  }
0x117: {  	v12 =	vld [tilespmem:s10+$0x1B700];
	[tilespmem:s6+$0xEF10] =	vst v11;
	v4 =	vmul.f32 v4, v9  }
0x118: {  	v11 =	vld [tilespmem:s10+$0x1B710];
	[tilespmem:s6+$0xEF20] =	vst v5;
	v3 =	vmul.f32 v3, v8  }
0x119: {  	v5 =	vld [tilespmem:s10+$0x1B720];
	[tilespmem:s6+$0xEF30] =	vst v4;
	v2 =	vmul.f32 v2, v6  }
0x11a: {  	v4 =	vld [tilespmem:s10+$0x1B730];
	[tilespmem:s6+$0xEF40] =	vst v3;
	v1 =	vmul.f32 v1, v7  }
0x11b: {  	v3 =	vld [tilespmem:s10+$0x1B740];
	[tilespmem:s6+$0xEF50] =	vst v2;
	v0 =	vmul.f32 v0, v10  }
0x11c: {  	v2 =	vld [tilespmem:s10+$0x1B750];
	[tilespmem:s6+$0xEF60] =	vst v1  }
0x11d: {  	v1 =	vld [tilespmem:s10+$0x1B760];
	[tilespmem:s6+$0xEF70] =	vst v0;
	s6 =	smov.u32 s10  }
0x11e: {  	v0 =	vld [tilespmem:s6+$0x1B770]  }
0x11f: {  	v6 =	vld [tilespmem:s6+$0xEF00]  }
0x120: {  	v7 =	vld [tilespmem:s6+$0xEF10]  }
.Ltmp4:
0x121: {  	v10 =	vld [tilespmem:s6+$0xEF20];
	(pc) =	sbr.rel @p0 .LBB2_11-.Ltmp4, $4  }
0x122: {  	v9 =	vld [tilespmem:s6+$0xEF30]  }
0x123: {  	v8 =	vld [tilespmem:s6+$0xEF40]  }
0x124: {  	v12 =	vmul.f32 v12, v6;
	v6 =	vld [tilespmem:s6+$0xEF50]  }
0x125: {  	s0 =	sadd.s32 $0x200, s0;
	v11 =	vmul.f32 v11, v7;
	v7 =	vld [tilespmem:s6+$0xEF60]  }
0x126: {  	[tilespmem:s6+$0xEF00] =	vst v12;
	v5 =	vmul.f32 v5, v10;
	v63 =	vld [tilespmem:s6+$0xEF70]  }
0x127: {  	[tilespmem:s6+$0xEF10] =	vst v11;
	v4 =	vmul.f32 v4, v9  }
0x128: {  	s22 =	sadd.s32 $0x1, s22;
	[tilespmem:s6+$0xEF20] =	vst v5;
	v3 =	vmul.f32 v3, v8  }
0x129: {  	p0 =	sne.s32 s22, $0x19;
	[tilespmem:s6+$0xEF30] =	vst v4;
	v2 =	vmul.f32 v2, v6  }
.Ltmp5:
0x12a: {  	[tilespmem:s6+$0xEF40] =	vst v3;
	v1 =	vmul.f32 v1, v7;
	(pc) =	sbr.rel @p0 .LBB2_2-.Ltmp5, $4  }
0x12b: {  	s0 =	sadd.s32 s4, s7;
	[tilespmem:s6+$0xEF50] =	vst v2;
	v0 =	vmul.f32 v0, v63  }
0x12c: {  	s0 =	sshll.u32 s0, $0x4;
	[tilespmem:s6+$0xEF60] =	vst v1  }
0x12d: {  	s0 =	sadd.s32 s3, s0;
	[tilespmem:s6+$0xEF70] =	vst v0  }
0x12e: {  	[hbm4b:s0+s5] =	stream.linear.scatter [tilespmem:s26], [sflag:$0xA], $0x2800, $0x38;
	[tilespmem:$0x1DF00] =	vst v63  }
0x12f: {  	s0 =	simm.s32 $0x6  }
0x130: {  	_ =	swait.ge [sflag:s0], $0x2800  }
0x131: {  	[sflag:s0] =	ssyncset.done $0x0  }
0x132: {  	s15 =	simm.s32 $0x7;
	[sflag:s0] =	ssyncadd.s32 $0xFFFFD800  }
0x133: {  	_ =	swait.ge [sflag:s15], $0x2800  }
0x134: {  	[sflag:s15] =	ssyncset.done $0x0  }
0x135: {  	[sflag:s15] =	ssyncadd.s32 $0xFFFFD800  }
0x136: {  	_ =	swait.ge [sflag:s17], $0x2800  }
0x137: {  	[sflag:s17] =	ssyncset.done $0x0  }
0x138: {  	[sflag:s17] =	ssyncadd.s32 $0xFFFFD800  }
0x139: {  	_ =	swait.ge [sflag:s18], $0x2800  }
0x13a: {  	[sflag:s18] =	ssyncset.done $0x0  }
0x13b: {  	[sflag:s18] =	ssyncadd.s32 $0xFFFFD800  }
0x13c: {  	_ =	swait.ge [sflag:s19], $0x2800  }
0x13d: {  	s21 =	sadd.s32 $0x1, s21;
	s22 =	rddreg [dreg:$0x6]  }
0x13e: {  	p0 =	sne.s32 s21, s22  }
.Ltmp6:
0x13f: {  	_ = 	snop;
	(pc) =	sbr.rel @p0 .LBB2_1-.Ltmp6, $3  }
0x140: {  	_ =	sdelay $0x1  }
0x141: {  	[sflag:s19] =	ssyncset.done $0x0  }
0x142: {  	[sflag:s19] =	ssyncadd.s32 $0xFFFFD800  }
0x143: {  	_ =	sfence.sel $0x180000  }
0x144: {  	[bflag:$0x0] =	sbarrier.arrive $0xFFFF  }
0x145: {  	_ =	strace $0x90000047  }
0x146: {  	s0 =	stileid.u32;
	[bflag:$0x2] =	sbarrier.arrive $0xFFFF  }
0x147: {  	p0 =	sne.s32 s0, $0x0;
	s0 =	rddreg [dreg:$0x3]  }
0x148: {  	s0 =	sadd.s32 @!p0 $0x100000, s0  }
0x149: {  	[sflag:s0] =	ssyncadd.tile.s32 @!p0 $0x1;
	_ =	shalt  }
.Lfunc_end2:
_tile_overlayer_lowered:
.L_overlay_start_2:
0x14a: {  	(tag) =	ssettag $0x2  }
0x14b: {  	s0 =	rddreg [dreg:$0x0];
	s2 =	stileid.u32  }
0x14c: {  	s1 =	rddreg [dreg:$0x1];
	p0 =	sne.s32 s2, $0x0  }
0x14d: {  	s3 =	rddreg [dreg:$0x2];
	[bflag:$0x3] =	sbarrier.arrive $0xFFFF;
	s2 =	simm.s32 @!p0 $0x1C0B  }
0x14e: {  	[timem:s3], [sflag:s2] =	dma.local @!p0 [hbm:s0], s1  }
0x14f: {  	s0 =	simm.s32 @!p0 $0xB  }
0x150: {  	_ =	swait.ge @!p0 [sflag:s0], s1  }
0x151: {  	s1 =	ssub.s32 @!p0 $0x0, s1;
	[sflag:s0] =	ssyncset.done @!p0 $0x0  }
0x152: {  	[sflag:s0] =	ssyncadd.s32 @!p0 s1  }
0x153: {  	[bflag:$0x3] =	sbarrier.arrive $0xFFFF  }
0x154: {  	_ =	shalt  }

</sc_bundles>
